<compile_context>
chip_gen: v7x
topology: tpu7x:2x2x1
jax: 0.10.2.dev20260603
libtpu: 0.0.44.dev20260713+nightly
codegen_flags: <defaults>
</compile_context>

<pallas_src>
import functools
import jax
import jax.numpy as jnp
from jax import lax
from jax.experimental import pallas as pl
from jax.experimental.pallas import tpu as pltpu
from jax.experimental.pallas import tpu_sc as plsc

B, S, D = 4, 96, 768
Z = 0.3
N = B * S * S
RB = 2048
GRID = N // RB
SS = S * S
NV = SS // 16


def _proj_body(w_ref, bias_ref, t_ref, vs_ref, ve_ref, lg_ref, pb_ref):
    t = t_ref[...].astype(jnp.bfloat16)
    w = w_ref[...].astype(jnp.bfloat16)
    x = jnp.dot(t, w, preferred_element_type=jnp.float32) + bias_ref[...]
    xt = x.T[0:8, :]
    lg_ref[...] = xt
    ps = (1.0 / (1.0 + jnp.exp(-xt[0:1, :]))) * (vs_ref[0] >= 0)
    pe = (1.0 / (1.0 + jnp.exp(-xt[1:2, :]))) * (ve_ref[0] >= 0)
    bits = jax.lax.bitcast_convert_type(
        jnp.concatenate([ps, pe], axis=0), jnp.int32)
    pb_ref[...] = jnp.concatenate(
        [bits, jnp.zeros((6, RB), jnp.int32)], axis=0)


def _sc_select(pb_hbm, am_hbm, mk_hbm, bbuf, obuf, ambuf, sbuf):
    wid = lax.axis_index("s") * 2 + lax.axis_index("c")
    r = wid % (2 * B)
    e = r % 2
    b = r // 2

    pltpu.sync_copy(pb_hbm.at[e, pl.ds(b * SS, SS)], bbuf)
    pltpu.sync_copy(am_hbm.at[b], ambuf)

    def lane_sum(vec):
        sbuf[...] = vec
        v = sbuf[...]
        s = v[0]
        for i in range(1, 16):
            s = s + v[i]
        return s

    one_v = jnp.full((16,), 1, jnp.int32)
    zero_v = jnp.zeros((16,), jnp.int32)

    def amsum(i, acc):
        return acc + ambuf[pl.ds(i * 16, 16)]

    msum = lane_sum(lax.fori_loop(0, S // 16, amsum,
                                  jnp.zeros((16,), jnp.int32)))
    mask_len = msum - 2
    length = (mask_len.astype(jnp.float32) * Z).astype(jnp.int32)
    length = jnp.maximum(length, 5)
    k = jnp.minimum(length, mask_len * mask_len)

    def it(_, carry):
        lo, hi = carry
        mid = (lo + hi) >> 1
        mid_v = jnp.full((16,), mid, jnp.int32)

        def cnt_loop(j, acc):
            ge16 = bbuf[pl.ds(j * 16, 16)] >= mid_v
            return jnp.where(ge16, acc + one_v, acc)

        cnt = lane_sum(lax.fori_loop(0, NV, cnt_loop,
                                     jnp.zeros((16,), jnp.int32), unroll=16))
        ge = cnt >= k
        return jnp.where(ge, mid, lo), jnp.where(ge, hi, mid)

    lo, _ = lax.fori_loop(0, 30, it, (jnp.int32(0), jnp.int32(1 << 30)))
    lo_v = jnp.full((16,), lo, jnp.int32)

    def maskloop(j, carry):
        sl = pl.ds(j * 16, 16)
        obuf[sl] = jnp.where(bbuf[sl] >= lo_v, one_v, zero_v)
        return carry

    lax.fori_loop(0, NV, maskloop, 0, unroll=16)
    pltpu.sync_copy(obuf, mk_hbm.at[wid])


_sc_select_call = functools.partial(
    pl.kernel,
    mesh=plsc.VectorSubcoreMesh(core_axis_name="c", subcore_axis_name="s"),
    out_type=jax.ShapeDtypeStruct((32, SS), jnp.int32),
    scratch_types=[
        pltpu.VMEM((SS,), jnp.int32),
        pltpu.VMEM((SS,), jnp.int32),
        pltpu.VMEM((S,), jnp.int32),
        pltpu.VMEM((16,), jnp.int32),
    ],
)(_sc_select)


def _proj_call(w2, bias, t2h, lab_s_h, lab_e_h):
    return pl.pallas_call(
        _proj_body,
        grid=(GRID,),
        in_specs=[
            pl.BlockSpec((D, 128), lambda i: (0, 0)),
            pl.BlockSpec((1, 128), lambda i: (0, 0)),
            pl.BlockSpec((RB, D), lambda i: (i, 0)),
            pl.BlockSpec((1, 1, RB), lambda i: (i, 0, 0)),
            pl.BlockSpec((1, 1, RB), lambda i: (i, 0, 0)),
        ],
        out_specs=[pl.BlockSpec((8, RB), lambda i: (0, i)),
                   pl.BlockSpec((8, RB), lambda i: (0, i))],
        out_shape=[jax.ShapeDtypeStruct((8, N), jnp.float32),
                   jax.ShapeDtypeStruct((8, N), jnp.int32)],
    )(w2, bias, t2h, lab_s_h, lab_e_h)


def kernel(table, attention_mask, table_labels_S, table_labels_E, domain_ids,
           mode, W_S, b_S, W_E, b_E):
    t2 = table.reshape(N, D)
    w2 = jnp.zeros((D, 128), jnp.float32)
    w2 = w2.at[:, 0].set(W_S[0]).at[:, 1].set(W_E[0])
    bias = jnp.zeros((1, 128), jnp.float32)
    bias = bias.at[0, 0].set(b_S[0]).at[0, 1].set(b_E[0])
    lab_s = table_labels_S.reshape(GRID, 1, RB)
    lab_e = table_labels_E.reshape(GRID, 1, RB)

    lg, pb = _proj_call(w2, bias, t2, lab_s, lab_e)
    mk = _sc_select_call(pb[0:2], attention_mask)

    return (lg[0].reshape(B, S, S), lg[1].reshape(B, S, S),
            mk[0:2 * B:2].reshape(B, S, S).astype(bool),
            mk[1:2 * B:2].reshape(B, S, S).astype(bool))

# --- scband reference (transcript-rebuilt; emitter-appended) ---
"""Pipeline reference for scband-inference-layer-14465449853029 (READ-ONLY COPY).

The authoritative reference and input builder live on the scoring server;
editing this copy changes nothing except your own understanding.
"""

import jax, jax.numpy as jnp
import numpy as np

B, S, D = 4, 96, 768
Z = 0.3  # config.span_pruning


def span_pruning(pred, z, attention_mask):
    mask_length = attention_mask.sum(axis=1) - 2
    length = (mask_length.astype(jnp.float32) * z).astype(jnp.int32)
    length = jnp.maximum(length, 5)
    max_length = mask_length * mask_length
    length = jnp.minimum(length, max_length)
    batch_size = pred.shape[0]
    pred_flat = pred.reshape(batch_size, -1)
    pred_sort = -jnp.sort(-pred_flat, axis=1)  # descending sort
    batchs = jnp.arange(batch_size)
    topkth = pred_sort[batchs, length - 1]
    return pred >= topkth.reshape(batch_size, 1, 1)


def setup_inputs(seed: int = 0):
    key = jax.random.key(seed)
    k0, k1, k2, k3, k4, k5, k6 = jax.random.split(key, 7)
    table = jax.random.normal(k0, (B, S, S, D), dtype=jnp.float32)
    attention_mask = jnp.ones((B, S), dtype=jnp.int32)
    table_labels_S = jax.random.randint(k1, (B, S, S), 0, 2)
    table_labels_E = jax.random.randint(k2, (B, S, S), 0, 2)
    domain_ids = jax.random.randint(k3, (B,), 0, 8)
    W_S = jax.random.normal(k4, (1, D), dtype=jnp.float32) * 0.02
    b_S = jnp.zeros((1,), dtype=jnp.float32)
    W_E = jax.random.normal(k5, (1, D), dtype=jnp.float32) * 0.02
    b_E = jnp.zeros((1,), dtype=jnp.float32)
    return {"table": table, "attention_mask": attention_mask,
            "table_labels_S": table_labels_S, "table_labels_E": table_labels_E,
            "domain_ids": domain_ids, "mode": 0,
            "W_S": W_S, "b_S": b_S, "W_E": W_E, "b_E": b_E}


def reference(table, attention_mask, table_labels_S, table_labels_E, domain_ids, mode, W_S, b_S, W_E, b_E):
    # cls_linear projections 768 -> 1, squeeze last dim
    logits_S = jnp.squeeze(table @ W_S.T + b_S, axis=3)
    logits_E = jnp.squeeze(table @ W_E.T + b_E, axis=3)
    # mode != 'no' -> loss branch skipped (inference path)
    valid = (table_labels_S >= 0).astype(logits_S.dtype)
    S_pred = jax.nn.sigmoid(logits_S) * valid
    E_pred = jax.nn.sigmoid(logits_E) * valid
    # config.span_pruning = 0.3 != 0 -> span pruning path
    table_predict_S = span_pruning(S_pred, Z, attention_mask)
    table_predict_E = span_pruning(E_pred, Z, attention_mask)
    return (logits_S, logits_E, table_predict_S, table_predict_E)

if __name__ == "__main__":
    import jax
    _d = setup_inputs()
    print(jax.jit(kernel)(*tuple(_d.values())))

</pallas_src>

<mosaic_0001>
#map = affine_map<(d0, d1) -> (0, 0)>
module attributes {stable_mosaic.version = 14 : i64} {
  func.func @_sc_select(%arg0: i32, %arg1: i32, %arg2: memref<2x36864xi32, #tpu.memory_space<hbm>>, %arg3: memref<4x96xi32, #tpu.memory_space<hbm>>, %arg4: memref<32x9216xi32, #tpu.memory_space<hbm>>, %arg5: memref<9216xi32, #tpu.memory_space<vmem>>, %arg6: memref<9216xi32, #tpu.memory_space<vmem>>, %arg7: memref<96xi32, #tpu.memory_space<vmem>>, %arg8: memref<16xi32, #tpu.memory_space<vmem>>) attributes {dimension_semantics = [#tpu.dimension_semantics<core_parallel>, #tpu.dimension_semantics<subcore_parallel>], iteration_bounds = array<i64: 2, 16>, scalar_prefetch = 0 : i64, scratch_operands = 4 : i64, tpu.core_type = #tpu.core_type<sc_vector_subcore>, window_params = [{transform_indices = #map}, {transform_indices = #map}, {transform_indices = #map}]} {
    %mul3A = arith.constant 2 : i32
    %mul3A_0 = arith.muli %arg1, %mul3A : i32
    %add3A = arith.addi %mul3A_0, %arg0 : i32
    %jit3A = arith.constant 8 : i32
    %eq3A = arith.constant 0 : i32
    %eq3A_1 = arith.cmpi eq, %jit3A, %eq3A : i32
    %jit3A_2 = arith.constant 1 : i32
    %select_n3A = arith.select %eq3A_1, %jit3A_2, %jit3A : i32
    %rem3A = arith.remsi %add3A, %select_n3A : i32
    %ne3A = arith.constant 0 : i32
    %ne3A_3 = arith.cmpi ne, %rem3A, %ne3A : i32
    %lt3A = arith.constant 0 : i32
    %lt3A_4 = arith.cmpi slt, %rem3A, %lt3A : i32
    %lt3A_5 = arith.constant 0 : i32
    %lt3A_6 = arith.cmpi slt, %select_n3A, %lt3A_5 : i32
    %ne3A_7 = arith.xori %lt3A_4, %lt3A_6 : i1
    %and3A = arith.andi %ne3A_7, %ne3A_3 : i1
    %add3A_8 = arith.addi %rem3A, %select_n3A : i32
    %select_n3A_9 = arith.select %and3A, %add3A_8, %rem3A : i32
    %jit3A_10 = arith.constant 2 : i32
    %eq3A_11 = arith.constant 0 : i32
    %eq3A_12 = arith.cmpi eq, %jit3A_10, %eq3A_11 : i32
    %jit3A_13 = arith.constant 1 : i32
    %select_n3A_14 = arith.select %eq3A_12, %jit3A_13, %jit3A_10 : i32
    %rem3A_15 = arith.remsi %select_n3A_9, %select_n3A_14 : i32
    %ne3A_16 = arith.constant 0 : i32
    %ne3A_17 = arith.cmpi ne, %rem3A_15, %ne3A_16 : i32
    %lt3A_18 = arith.constant 0 : i32
    %lt3A_19 = arith.cmpi slt, %rem3A_15, %lt3A_18 : i32
    %lt3A_20 = arith.constant 0 : i32
    %lt3A_21 = arith.cmpi slt, %select_n3A_14, %lt3A_20 : i32
    %ne3A_22 = arith.xori %lt3A_19, %lt3A_21 : i1
    %and3A_23 = arith.andi %ne3A_22, %ne3A_17 : i1
    %add3A_24 = arith.addi %rem3A_15, %select_n3A_14 : i32
    %select_n3A_25 = arith.select %and3A_23, %add3A_24, %rem3A_15 : i32
    %jit3A_26 = arith.constant 2 : i32
    %div3A = arith.divsi %select_n3A_9, %jit3A_26 : i32
    %sign3A = arith.constant 0 : i32
    %sign3A_27 = arith.cmpi sgt, %select_n3A_9, %sign3A : i32
    %sign3A_28 = arith.extui %sign3A_27 : i1 to i32
    %sign3A_29 = arith.constant 0 : i32
    %sign3A_30 = arith.cmpi slt, %select_n3A_9, %sign3A_29 : i32
    %sign3A_31 = arith.extui %sign3A_30 : i1 to i32
    %sign3A_32 = arith.subi %sign3A_28, %sign3A_31 : i32
    %sign3A_33 = arith.constant 0 : i32
    %sign3A_34 = arith.cmpi sgt, %jit3A_26, %sign3A_33 : i32
    %sign3A_35 = arith.extui %sign3A_34 : i1 to i32
    %sign3A_36 = arith.constant 0 : i32
    %sign3A_37 = arith.cmpi slt, %jit3A_26, %sign3A_36 : i32
    %sign3A_38 = arith.extui %sign3A_37 : i1 to i32
    %sign3A_39 = arith.subi %sign3A_35, %sign3A_38 : i32
    %ne3A_40 = arith.cmpi ne, %sign3A_32, %sign3A_39 : i32
    %rem3A_41 = arith.remsi %select_n3A_9, %jit3A_26 : i32
    %ne3A_42 = arith.constant 0 : i32
    %ne3A_43 = arith.cmpi ne, %rem3A_41, %ne3A_42 : i32
    %and3A_44 = arith.andi %ne3A_40, %ne3A_43 : i1
    %sub3A = arith.constant 1 : i32
    %sub3A_45 = arith.subi %div3A, %sub3A : i32
    %select_n3A_46 = arith.select %and3A_44, %sub3A_45, %div3A : i32
    %mul3A_47 = arith.constant 9216 : i32
    %mul3A_48 = arith.muli %select_n3A_46, %mul3A_47 : i32
    "tpu.region"() ({
      %run_scoped3A = tpu.sem_alloc : memref<!tpu.dma_semaphore, #tpu.memory_space<semaphore_mem>>
      %dma_start3A = tpu.memref_slice %arg2[%select_n3A_25, %mul3A_48] : memref<2x36864xi32, #tpu.memory_space<hbm>> -> memref<1x9216xi32, #tpu.memory_space<hbm>>
      %dma_start3A_131 = tpu.memref_squeeze %dma_start3A : memref<1x9216xi32, #tpu.memory_space<hbm>> -> memref<9216xi32, #tpu.memory_space<hbm>>
      %dma_start3A_132 = tpu.memref_slice %arg2[%select_n3A_25, %mul3A_48] : memref<2x36864xi32, #tpu.memory_space<hbm>> -> memref<1x9216xi32, #tpu.memory_space<hbm>>
      %dma_start3A_133 = tpu.memref_squeeze %dma_start3A_132 : memref<1x9216xi32, #tpu.memory_space<hbm>> -> memref<9216xi32, #tpu.memory_space<hbm>>
      tpu.enqueue_dma source(%dma_start3A_133 : memref<9216xi32, #tpu.memory_space<hbm>>) target(%arg5 : memref<9216xi32, #tpu.memory_space<vmem>>) target_semaphore(%run_scoped3A : memref<!tpu.dma_semaphore, #tpu.memory_space<semaphore_mem>>)
      %dma_wait3A = tpu.memref_slice %arg2[%select_n3A_25, %mul3A_48] : memref<2x36864xi32, #tpu.memory_space<hbm>> -> memref<1x9216xi32, #tpu.memory_space<hbm>>
      %dma_wait3A_134 = tpu.memref_squeeze %dma_wait3A : memref<1x9216xi32, #tpu.memory_space<hbm>> -> memref<9216xi32, #tpu.memory_space<hbm>>
      %dma_wait3A_135 = tpu.memref_slice %arg2[%select_n3A_25, %mul3A_48] : memref<2x36864xi32, #tpu.memory_space<hbm>> -> memref<1x9216xi32, #tpu.memory_space<hbm>>
      %dma_wait3A_136 = tpu.memref_squeeze %dma_wait3A_135 : memref<1x9216xi32, #tpu.memory_space<hbm>> -> memref<9216xi32, #tpu.memory_space<hbm>>
      tpu.wait_dma2 semaphore(%run_scoped3A : memref<!tpu.dma_semaphore, #tpu.memory_space<semaphore_mem>>) src(%dma_wait3A_136 : memref<9216xi32, #tpu.memory_space<hbm>>) dst(%arg5 : memref<9216xi32, #tpu.memory_space<vmem>>)
      tpu.yield
    }) : () -> ()
    "tpu.region"() ({
      %run_scoped3A = tpu.sem_alloc : memref<!tpu.dma_semaphore, #tpu.memory_space<semaphore_mem>>
      %dma_start3A = arith.constant 0 : i32
      %dma_start3A_131 = tpu.memref_slice %arg3[%select_n3A_46, %dma_start3A] : memref<4x96xi32, #tpu.memory_space<hbm>> -> memref<1x96xi32, #tpu.memory_space<hbm>>
      %dma_start3A_132 = tpu.memref_squeeze %dma_start3A_131 : memref<1x96xi32, #tpu.memory_space<hbm>> -> memref<96xi32, #tpu.memory_space<hbm>>
      %dma_start3A_133 = arith.constant 0 : i32
      %dma_start3A_134 = tpu.memref_slice %arg3[%select_n3A_46, %dma_start3A_133] : memref<4x96xi32, #tpu.memory_space<hbm>> -> memref<1x96xi32, #tpu.memory_space<hbm>>
      %dma_start3A_135 = tpu.memref_squeeze %dma_start3A_134 : memref<1x96xi32, #tpu.memory_space<hbm>> -> memref<96xi32, #tpu.memory_space<hbm>>
      tpu.enqueue_dma source(%dma_start3A_135 : memref<96xi32, #tpu.memory_space<hbm>>) target(%arg7 : memref<96xi32, #tpu.memory_space<vmem>>) target_semaphore(%run_scoped3A : memref<!tpu.dma_semaphore, #tpu.memory_space<semaphore_mem>>)
      %dma_wait3A = arith.constant 0 : i32
      %dma_wait3A_136 = tpu.memref_slice %arg3[%select_n3A_46, %dma_wait3A] : memref<4x96xi32, #tpu.memory_space<hbm>> -> memref<1x96xi32, #tpu.memory_space<hbm>>
      %dma_wait3A_137 = tpu.memref_squeeze %dma_wait3A_136 : memref<1x96xi32, #tpu.memory_space<hbm>> -> memref<96xi32, #tpu.memory_space<hbm>>
      %dma_wait3A_138 = arith.constant 0 : i32
      %dma_wait3A_139 = tpu.memref_slice %arg3[%select_n3A_46, %dma_wait3A_138] : memref<4x96xi32, #tpu.memory_space<hbm>> -> memref<1x96xi32, #tpu.memory_space<hbm>>
      %dma_wait3A_140 = tpu.memref_squeeze %dma_wait3A_139 : memref<1x96xi32, #tpu.memory_space<hbm>> -> memref<96xi32, #tpu.memory_space<hbm>>
      tpu.wait_dma2 semaphore(%run_scoped3A : memref<!tpu.dma_semaphore, #tpu.memory_space<semaphore_mem>>) src(%dma_wait3A_140 : memref<96xi32, #tpu.memory_space<hbm>>) dst(%arg7 : memref<96xi32, #tpu.memory_space<vmem>>)
      tpu.yield
    }) : () -> ()
    %broadcast_in_dim3A = arith.constant 1 : i32
    %broadcast_in_dim3A_49 = vector.broadcast %broadcast_in_dim3A : i32 to vector<16xi32>
    %broadcast_in_dim3A_50 = arith.constant 0 : i32
    %broadcast_in_dim3A_51 = vector.broadcast %broadcast_in_dim3A_50 : i32 to vector<16xi32>
    %broadcast_in_dim3A_52 = arith.constant 0 : i32
    %broadcast_in_dim3A_53 = vector.broadcast %broadcast_in_dim3A_52 : i32 to vector<16xi32>
    %scan3A = arith.constant 0 : i32
    %scan3A_54 = arith.constant 6 : i32
    %scan3A_55 = arith.addi %scan3A, %scan3A_54 : i32
    %scan3A_56 = arith.constant 1 : i32
    %scan3A_57 = scf.for %scan3A_131 = %scan3A to %scan3A_55 step %scan3A_56 iter_args(%scan3A_132 = %broadcast_in_dim3A_53) -> (vector<16xi32>)  : i32 {
      %mul3A_133 = arith.constant 16 : i32
      %mul3A_134 = arith.muli %scan3A_131, %mul3A_133 : i32
      %get3A_135 = arith.index_cast %mul3A_134 : i32 to index
      %get3A_136 = tpu.vector_load %arg7[%get3A_135] {strides = array<i32>} : memref<96xi32, #tpu.memory_space<vmem>>, vector<16xi32>,
      %get3A_137 = vector.shape_cast %get3A_136 : vector<16xi32> to vector<16xi32>
      %add3A_138 = arith.addi %scan3A_132, %get3A_137 : vector<16xi32>
      scf.yield %add3A_138 : vector<16xi32>
    }
    %scan3A_58 = arith.constant 6 : i32
    %swap3A = arith.constant 0 : index
    %swap3A_59 = tpu.vector_load %arg8[%swap3A] {strides = array<i32>} : memref<16xi32, #tpu.memory_space<vmem>>, vector<16xi32>,
    %swap3A_60 = vector.shape_cast %swap3A_59 : vector<16xi32> to vector<16xi32>
    %swap3A_61 = vector.shape_cast %scan3A_57 : vector<16xi32> to vector<16xi32>
    tpu.vector_store %arg8[%swap3A], %swap3A_61 {strides = array<i32>} : memref<16xi32, #tpu.memory_space<vmem>>, vector<16xi32>,
    %get3A = arith.constant 0 : index
    %get3A_62 = tpu.vector_load %arg8[%get3A] {strides = array<i32>} : memref<16xi32, #tpu.memory_space<vmem>>, vector<16xi32>,
    %get3A_63 = vector.shape_cast %get3A_62 : vector<16xi32> to vector<16xi32>
    %slice3A = vector.extract_strided_slice %get3A_63 {offsets = [0], sizes = [1], strides = [1]} : vector<16xi32> to vector<1xi32>
    %squeeze3A = vector.extract %slice3A[0] : i32 from vector<1xi32>
    %slice3A_64 = vector.extract_strided_slice %get3A_63 {offsets = [1], sizes = [1], strides = [1]} : vector<16xi32> to vector<1xi32>
    %squeeze3A_65 = vector.extract %slice3A_64[0] : i32 from vector<1xi32>
    %add3A_66 = arith.addi %squeeze3A, %squeeze3A_65 : i32
    %slice3A_67 = vector.extract_strided_slice %get3A_63 {offsets = [2], sizes = [1], strides = [1]} : vector<16xi32> to vector<1xi32>
    %squeeze3A_68 = vector.extract %slice3A_67[0] : i32 from vector<1xi32>
    %add3A_69 = arith.addi %add3A_66, %squeeze3A_68 : i32
    %slice3A_70 = vector.extract_strided_slice %get3A_63 {offsets = [3], sizes = [1], strides = [1]} : vector<16xi32> to vector<1xi32>
    %squeeze3A_71 = vector.extract %slice3A_70[0] : i32 from vector<1xi32>
    %add3A_72 = arith.addi %add3A_69, %squeeze3A_71 : i32
    %slice3A_73 = vector.extract_strided_slice %get3A_63 {offsets = [4], sizes = [1], strides = [1]} : vector<16xi32> to vector<1xi32>
    %squeeze3A_74 = vector.extract %slice3A_73[0] : i32 from vector<1xi32>
    %add3A_75 = arith.addi %add3A_72, %squeeze3A_74 : i32
    %slice3A_76 = vector.extract_strided_slice %get3A_63 {offsets = [5], sizes = [1], strides = [1]} : vector<16xi32> to vector<1xi32>
    %squeeze3A_77 = vector.extract %slice3A_76[0] : i32 from vector<1xi32>
    %add3A_78 = arith.addi %add3A_75, %squeeze3A_77 : i32
    %slice3A_79 = vector.extract_strided_slice %get3A_63 {offsets = [6], sizes = [1], strides = [1]} : vector<16xi32> to vector<1xi32>
    %squeeze3A_80 = vector.extract %slice3A_79[0] : i32 from vector<1xi32>
    %add3A_81 = arith.addi %add3A_78, %squeeze3A_80 : i32
    %slice3A_82 = vector.extract_strided_slice %get3A_63 {offsets = [7], sizes = [1], strides = [1]} : vector<16xi32> to vector<1xi32>
    %squeeze3A_83 = vector.extract %slice3A_82[0] : i32 from vector<1xi32>
    %add3A_84 = arith.addi %add3A_81, %squeeze3A_83 : i32
    %slice3A_85 = vector.extract_strided_slice %get3A_63 {offsets = [8], sizes = [1], strides = [1]} : vector<16xi32> to vector<1xi32>
    %squeeze3A_86 = vector.extract %slice3A_85[0] : i32 from vector<1xi32>
    %add3A_87 = arith.addi %add3A_84, %squeeze3A_86 : i32
    %slice3A_88 = vector.extract_strided_slice %get3A_63 {offsets = [9], sizes = [1], strides = [1]} : vector<16xi32> to vector<1xi32>
    %squeeze3A_89 = vector.extract %slice3A_88[0] : i32 from vector<1xi32>
    %add3A_90 = arith.addi %add3A_87, %squeeze3A_89 : i32
    %slice3A_91 = vector.extract_strided_slice %get3A_63 {offsets = [10], sizes = [1], strides = [1]} : vector<16xi32> to vector<1xi32>
    %squeeze3A_92 = vector.extract %slice3A_91[0] : i32 from vector<1xi32>
    %add3A_93 = arith.addi %add3A_90, %squeeze3A_92 : i32
    %slice3A_94 = vector.extract_strided_slice %get3A_63 {offsets = [11], sizes = [1], strides = [1]} : vector<16xi32> to vector<1xi32>
    %squeeze3A_95 = vector.extract %slice3A_94[0] : i32 from vector<1xi32>
    %add3A_96 = arith.addi %add3A_93, %squeeze3A_95 : i32
    %slice3A_97 = vector.extract_strided_slice %get3A_63 {offsets = [12], sizes = [1], strides = [1]} : vector<16xi32> to vector<1xi32>
    %squeeze3A_98 = vector.extract %slice3A_97[0] : i32 from vector<1xi32>
    %add3A_99 = arith.addi %add3A_96, %squeeze3A_98 : i32
    %slice3A_100 = vector.extract_strided_slice %get3A_63 {offsets = [13], sizes = [1], strides = [1]} : vector<16xi32> to vector<1xi32>
    %squeeze3A_101 = vector.extract %slice3A_100[0] : i32 from vector<1xi32>
    %add3A_102 = arith.addi %add3A_99, %squeeze3A_101 : i32
    %slice3A_103 = vector.extract_strided_slice %get3A_63 {offsets = [14], sizes = [1], strides = [1]} : vector<16xi32> to vector<1xi32>
    %squeeze3A_104 = vector.extract %slice3A_103[0] : i32 from vector<1xi32>
    %add3A_105 = arith.addi %add3A_102, %squeeze3A_104 : i32
    %slice3A_106 = vector.extract_strided_slice %get3A_63 {offsets = [15], sizes = [1], strides = [1]} : vector<16xi32> to vector<1xi32>
    %squeeze3A_107 = vector.extract %slice3A_106[0] : i32 from vector<1xi32>
    %add3A_108 = arith.addi %add3A_105, %squeeze3A_107 : i32
    %sub3A_109 = arith.constant 2 : i32
    %sub3A_110 = arith.subi %add3A_108, %sub3A_109 : i32
    %convert_element_type3A = arith.sitofp %sub3A_110 : i32 to f32
    %mul3A_111 = arith.constant 3.000000e-01 : f32
    %mul3A_112 = arith.mulf %convert_element_type3A, %mul3A_111 : f32
    %convert_element_type3A_113 = arith.fptosi %mul3A_112 : f32 to i32
    %max3A = arith.constant 5 : i32
    %max3A_114 = arith.maxsi %convert_element_type3A_113, %max3A : i32
    %mul3A_115 = arith.muli %sub3A_110, %sub3A_110 : i32
    %min3A = arith.minsi %max3A_114, %mul3A_115 : i32
    %scan3A_116 = arith.constant 0 : i32
    %scan3A_117 = arith.constant 1073741824 : i32
    %scan3A_118 = arith.constant 0 : i32
    %scan3A_119 = arith.constant 30 : i32
    %scan3A_120 = arith.addi %scan3A_118, %scan3A_119 : i32
    %scan3A_121 = arith.constant 1 : i32
    %scan3A_122:2 = scf.for %scan3A_131 = %scan3A_118 to %scan3A_120 step %scan3A_121 iter_args(%scan3A_132 = %scan3A_116, %scan3A_133 = %scan3A_117) -> (i32, i32)  : i32 {
      %add3A_134 = arith.addi %scan3A_132, %scan3A_133 : i32
      %shift_right_arithmetic3A = arith.constant 1 : i32
      %shift_right_arithmetic3A_135 = arith.shrsi %add3A_134, %shift_right_arithmetic3A : i32
      %broadcast_in_dim3A_136 = vector.broadcast %shift_right_arithmetic3A_135 : i32 to vector<16xi32>
      %broadcast_in_dim3A_137 = arith.constant 0 : i32
      %broadcast_in_dim3A_138 = vector.broadcast %broadcast_in_dim3A_137 : i32 to vector<16xi32>
      %scan3A_139 = arith.constant 0 : i32
      %scan3A_140 = arith.constant 576 : i32
      %scan3A_141 = arith.addi %scan3A_139, %scan3A_140 : i32
      %scan3A_142 = arith.constant 16 : i32
      %scan3A_143 = scf.for %scan3A_201 = %scan3A_139 to %scan3A_141 step %scan3A_142 iter_args(%scan3A_202 = %broadcast_in_dim3A_138) -> (vector<16xi32>)  : i32 {
        %mul3A_203 = arith.constant 16 : i32
        %mul3A_204 = arith.muli %scan3A_201, %mul3A_203 : i32
        %get3A_205 = arith.index_cast %mul3A_204 : i32 to index
        %get3A_206 = tpu.vector_load %arg5[%get3A_205] {strides = array<i32>} : memref<9216xi32, #tpu.memory_space<vmem>>, vector<16xi32>,
        %get3A_207 = vector.shape_cast %get3A_206 : vector<16xi32> to vector<16xi32>
        %ge3A_208 = arith.cmpi sge, %get3A_207, %broadcast_in_dim3A_136 : vector<16xi32>
        %add3A_209 = arith.addi %scan3A_202, %broadcast_in_dim3A_49 : vector<16xi32>
        %select_n3A_210 = arith.select %ge3A_208, %add3A_209, %scan3A_202 : vector<16xi1>, vector<16xi32>
        %scan3A_211 = arith.constant 1 : i32
        %scan3A_212 = arith.addi %scan3A_201, %scan3A_211 : i32
        %mul3A_213 = arith.constant 16 : i32
        %mul3A_214 = arith.muli %scan3A_212, %mul3A_213 : i32
        %get3A_215 = arith.index_cast %mul3A_214 : i32 to index
        %get3A_216 = tpu.vector_load %arg5[%get3A_215] {strides = array<i32>} : memref<9216xi32, #tpu.memory_space<vmem>>, vector<16xi32>,
        %get3A_217 = vector.shape_cast %get3A_216 : vector<16xi32> to vector<16xi32>
        %ge3A_218 = arith.cmpi sge, %get3A_217, %broadcast_in_dim3A_136 : vector<16xi32>
        %add3A_219 = arith.addi %select_n3A_210, %broadcast_in_dim3A_49 : vector<16xi32>
        %select_n3A_220 = arith.select %ge3A_218, %add3A_219, %select_n3A_210 : vector<16xi1>, vector<16xi32>
        %scan3A_221 = arith.constant 2 : i32
        %scan3A_222 = arith.addi %scan3A_201, %scan3A_221 : i32
        %mul3A_223 = arith.constant 16 : i32
        %mul3A_224 = arith.muli %scan3A_222, %mul3A_223 : i32
        %get3A_225 = arith.index_cast %mul3A_224 : i32 to index
        %get3A_226 = tpu.vector_load %arg5[%get3A_225] {strides = array<i32>} : memref<9216xi32, #tpu.memory_space<vmem>>, vector<16xi32>,
        %get3A_227 = vector.shape_cast %get3A_226 : vector<16xi32> to vector<16xi32>
        %ge3A_228 = arith.cmpi sge, %get3A_227, %broadcast_in_dim3A_136 : vector<16xi32>
        %add3A_229 = arith.addi %select_n3A_220, %broadcast_in_dim3A_49 : vector<16xi32>
        %select_n3A_230 = arith.select %ge3A_228, %add3A_229, %select_n3A_220 : vector<16xi1>, vector<16xi32>
        %scan3A_231 = arith.constant 3 : i32
        %scan3A_232 = arith.addi %scan3A_201, %scan3A_231 : i32
        %mul3A_233 = arith.constant 16 : i32
        %mul3A_234 = arith.muli %scan3A_232, %mul3A_233 : i32
        %get3A_235 = arith.index_cast %mul3A_234 : i32 to index
        %get3A_236 = tpu.vector_load %arg5[%get3A_235] {strides = array<i32>} : memref<9216xi32, #tpu.memory_space<vmem>>, vector<16xi32>,
        %get3A_237 = vector.shape_cast %get3A_236 : vector<16xi32> to vector<16xi32>
        %ge3A_238 = arith.cmpi sge, %get3A_237, %broadcast_in_dim3A_136 : vector<16xi32>
        %add3A_239 = arith.addi %select_n3A_230, %broadcast_in_dim3A_49 : vector<16xi32>
        %select_n3A_240 = arith.select %ge3A_238, %add3A_239, %select_n3A_230 : vector<16xi1>, vector<16xi32>
        %scan3A_241 = arith.constant 4 : i32
        %scan3A_242 = arith.addi %scan3A_201, %scan3A_241 : i32
        %mul3A_243 = arith.constant 16 : i32
        %mul3A_244 = arith.muli %scan3A_242, %mul3A_243 : i32
        %get3A_245 = arith.index_cast %mul3A_244 : i32 to index
        %get3A_246 = tpu.vector_load %arg5[%get3A_245] {strides = array<i32>} : memref<9216xi32, #tpu.memory_space<vmem>>, vector<16xi32>,
        %get3A_247 = vector.shape_cast %get3A_246 : vector<16xi32> to vector<16xi32>
        %ge3A_248 = arith.cmpi sge, %get3A_247, %broadcast_in_dim3A_136 : vector<16xi32>
        %add3A_249 = arith.addi %select_n3A_240, %broadcast_in_dim3A_49 : vector<16xi32>
        %select_n3A_250 = arith.select %ge3A_248, %add3A_249, %select_n3A_240 : vector<16xi1>, vector<16xi32>
        %scan3A_251 = arith.constant 5 : i32
        %scan3A_252 = arith.addi %scan3A_201, %scan3A_251 : i32
        %mul3A_253 = arith.constant 16 : i32
        %mul3A_254 = arith.muli %scan3A_252, %mul3A_253 : i32
        %get3A_255 = arith.index_cast %mul3A_254 : i32 to index
        %get3A_256 = tpu.vector_load %arg5[%get3A_255] {strides = array<i32>} : memref<9216xi32, #tpu.memory_space<vmem>>, vector<16xi32>,
        %get3A_257 = vector.shape_cast %get3A_256 : vector<16xi32> to vector<16xi32>
        %ge3A_258 = arith.cmpi sge, %get3A_257, %broadcast_in_dim3A_136 : vector<16xi32>
        %add3A_259 = arith.addi %select_n3A_250, %broadcast_in_dim3A_49 : vector<16xi32>
        %select_n3A_260 = arith.select %ge3A_258, %add3A_259, %select_n3A_250 : vector<16xi1>, vector<16xi32>
        %scan3A_261 = arith.constant 6 : i32
        %scan3A_262 = arith.addi %scan3A_201, %scan3A_261 : i32
        %mul3A_263 = arith.constant 16 : i32
        %mul3A_264 = arith.muli %scan3A_262, %mul3A_263 : i32
        %get3A_265 = arith.index_cast %mul3A_264 : i32 to index
        %get3A_266 = tpu.vector_load %arg5[%get3A_265] {strides = array<i32>} : memref<9216xi32, #tpu.memory_space<vmem>>, vector<16xi32>,
        %get3A_267 = vector.shape_cast %get3A_266 : vector<16xi32> to vector<16xi32>
        %ge3A_268 = arith.cmpi sge, %get3A_267, %broadcast_in_dim3A_136 : vector<16xi32>
        %add3A_269 = arith.addi %select_n3A_260, %broadcast_in_dim3A_49 : vector<16xi32>
        %select_n3A_270 = arith.select %ge3A_268, %add3A_269, %select_n3A_260 : vector<16xi1>, vector<16xi32>
        %scan3A_271 = arith.constant 7 : i32
        %scan3A_272 = arith.addi %scan3A_201, %scan3A_271 : i32
        %mul3A_273 = arith.constant 16 : i32
        %mul3A_274 = arith.muli %scan3A_272, %mul3A_273 : i32
        %get3A_275 = arith.index_cast %mul3A_274 : i32 to index
        %get3A_276 = tpu.vector_load %arg5[%get3A_275] {strides = array<i32>} : memref<9216xi32, #tpu.memory_space<vmem>>, vector<16xi32>,
        %get3A_277 = vector.shape_cast %get3A_276 : vector<16xi32> to vector<16xi32>
        %ge3A_278 = arith.cmpi sge, %get3A_277, %broadcast_in_dim3A_136 : vector<16xi32>
        %add3A_279 = arith.addi %select_n3A_270, %broadcast_in_dim3A_49 : vector<16xi32>
        %select_n3A_280 = arith.select %ge3A_278, %add3A_279, %select_n3A_270 : vector<16xi1>, vector<16xi32>
        %scan3A_281 = arith.constant 8 : i32
        %scan3A_282 = arith.addi %scan3A_201, %scan3A_281 : i32
        %mul3A_283 = arith.constant 16 : i32
        %mul3A_284 = arith.muli %scan3A_282, %mul3A_283 : i32
        %get3A_285 = arith.index_cast %mul3A_284 : i32 to index
        %get3A_286 = tpu.vector_load %arg5[%get3A_285] {strides = array<i32>} : memref<9216xi32, #tpu.memory_space<vmem>>, vector<16xi32>,
        %get3A_287 = vector.shape_cast %get3A_286 : vector<16xi32> to vector<16xi32>
        %ge3A_288 = arith.cmpi sge, %get3A_287, %broadcast_in_dim3A_136 : vector<16xi32>
        %add3A_289 = arith.addi %select_n3A_280, %broadcast_in_dim3A_49 : vector<16xi32>
        %select_n3A_290 = arith.select %ge3A_288, %add3A_289, %select_n3A_280 : vector<16xi1>, vector<16xi32>
        %scan3A_291 = arith.constant 9 : i32
        %scan3A_292 = arith.addi %scan3A_201, %scan3A_291 : i32
        %mul3A_293 = arith.constant 16 : i32
        %mul3A_294 = arith.muli %scan3A_292, %mul3A_293 : i32
        %get3A_295 = arith.index_cast %mul3A_294 : i32 to index
        %get3A_296 = tpu.vector_load %arg5[%get3A_295] {strides = array<i32>} : memref<9216xi32, #tpu.memory_space<vmem>>, vector<16xi32>,
        %get3A_297 = vector.shape_cast %get3A_296 : vector<16xi32> to vector<16xi32>
        %ge3A_298 = arith.cmpi sge, %get3A_297, %broadcast_in_dim3A_136 : vector<16xi32>
        %add3A_299 = arith.addi %select_n3A_290, %broadcast_in_dim3A_49 : vector<16xi32>
        %select_n3A_300 = arith.select %ge3A_298, %add3A_299, %select_n3A_290 : vector<16xi1>, vector<16xi32>
        %scan3A_301 = arith.constant 10 : i32
        %scan3A_302 = arith.addi %scan3A_201, %scan3A_301 : i32
        %mul3A_303 = arith.constant 16 : i32
        %mul3A_304 = arith.muli %scan3A_302, %mul3A_303 : i32
        %get3A_305 = arith.index_cast %mul3A_304 : i32 to index
        %get3A_306 = tpu.vector_load %arg5[%get3A_305] {strides = array<i32>} : memref<9216xi32, #tpu.memory_space<vmem>>, vector<16xi32>,
        %get3A_307 = vector.shape_cast %get3A_306 : vector<16xi32> to vector<16xi32>
        %ge3A_308 = arith.cmpi sge, %get3A_307, %broadcast_in_dim3A_136 : vector<16xi32>
        %add3A_309 = arith.addi %select_n3A_300, %broadcast_in_dim3A_49 : vector<16xi32>
        %select_n3A_310 = arith.select %ge3A_308, %add3A_309, %select_n3A_300 : vector<16xi1>, vector<16xi32>
        %scan3A_311 = arith.constant 11 : i32
        %scan3A_312 = arith.addi %scan3A_201, %scan3A_311 : i32
        %mul3A_313 = arith.constant 16 : i32
        %mul3A_314 = arith.muli %scan3A_312, %mul3A_313 : i32
        %get3A_315 = arith.index_cast %mul3A_314 : i32 to index
        %get3A_316 = tpu.vector_load %arg5[%get3A_315] {strides = array<i32>} : memref<9216xi32, #tpu.memory_space<vmem>>, vector<16xi32>,
        %get3A_317 = vector.shape_cast %get3A_316 : vector<16xi32> to vector<16xi32>
        %ge3A_318 = arith.cmpi sge, %get3A_317, %broadcast_in_dim3A_136 : vector<16xi32>
        %add3A_319 = arith.addi %select_n3A_310, %broadcast_in_dim3A_49 : vector<16xi32>
        %select_n3A_320 = arith.select %ge3A_318, %add3A_319, %select_n3A_310 : vector<16xi1>, vector<16xi32>
        %scan3A_321 = arith.constant 12 : i32
        %scan3A_322 = arith.addi %scan3A_201, %scan3A_321 : i32
        %mul3A_323 = arith.constant 16 : i32
        %mul3A_324 = arith.muli %scan3A_322, %mul3A_323 : i32
        %get3A_325 = arith.index_cast %mul3A_324 : i32 to index
        %get3A_326 = tpu.vector_load %arg5[%get3A_325] {strides = array<i32>} : memref<9216xi32, #tpu.memory_space<vmem>>, vector<16xi32>,
        %get3A_327 = vector.shape_cast %get3A_326 : vector<16xi32> to vector<16xi32>
        %ge3A_328 = arith.cmpi sge, %get3A_327, %broadcast_in_dim3A_136 : vector<16xi32>
        %add3A_329 = arith.addi %select_n3A_320, %broadcast_in_dim3A_49 : vector<16xi32>
        %select_n3A_330 = arith.select %ge3A_328, %add3A_329, %select_n3A_320 : vector<16xi1>, vector<16xi32>
        %scan3A_331 = arith.constant 13 : i32
        %scan3A_332 = arith.addi %scan3A_201, %scan3A_331 : i32
        %mul3A_333 = arith.constant 16 : i32
        %mul3A_334 = arith.muli %scan3A_332, %mul3A_333 : i32
        %get3A_335 = arith.index_cast %mul3A_334 : i32 to index
        %get3A_336 = tpu.vector_load %arg5[%get3A_335] {strides = array<i32>} : memref<9216xi32, #tpu.memory_space<vmem>>, vector<16xi32>,
        %get3A_337 = vector.shape_cast %get3A_336 : vector<16xi32> to vector<16xi32>
        %ge3A_338 = arith.cmpi sge, %get3A_337, %broadcast_in_dim3A_136 : vector<16xi32>
        %add3A_339 = arith.addi %select_n3A_330, %broadcast_in_dim3A_49 : vector<16xi32>
        %select_n3A_340 = arith.select %ge3A_338, %add3A_339, %select_n3A_330 : vector<16xi1>, vector<16xi32>
        %scan3A_341 = arith.constant 14 : i32
        %scan3A_342 = arith.addi %scan3A_201, %scan3A_341 : i32
        %mul3A_343 = arith.constant 16 : i32
        %mul3A_344 = arith.muli %scan3A_342, %mul3A_343 : i32
        %get3A_345 = arith.index_cast %mul3A_344 : i32 to index
        %get3A_346 = tpu.vector_load %arg5[%get3A_345] {strides = array<i32>} : memref<9216xi32, #tpu.memory_space<vmem>>, vector<16xi32>,
        %get3A_347 = vector.shape_cast %get3A_346 : vector<16xi32> to vector<16xi32>
        %ge3A_348 = arith.cmpi sge, %get3A_347, %broadcast_in_dim3A_136 : vector<16xi32>
        %add3A_349 = arith.addi %select_n3A_340, %broadcast_in_dim3A_49 : vector<16xi32>
        %select_n3A_350 = arith.select %ge3A_348, %add3A_349, %select_n3A_340 : vector<16xi1>, vector<16xi32>
        %scan3A_351 = arith.constant 15 : i32
        %scan3A_352 = arith.addi %scan3A_201, %scan3A_351 : i32
        %mul3A_353 = arith.constant 16 : i32
        %mul3A_354 = arith.muli %scan3A_352, %mul3A_353 : i32
        %get3A_355 = arith.index_cast %mul3A_354 : i32 to index
        %get3A_356 = tpu.vector_load %arg5[%get3A_355] {strides = array<i32>} : memref<9216xi32, #tpu.memory_space<vmem>>, vector<16xi32>,
        %get3A_357 = vector.shape_cast %get3A_356 : vector<16xi32> to vector<16xi32>
        %ge3A_358 = arith.cmpi sge, %get3A_357, %broadcast_in_dim3A_136 : vector<16xi32>
        %add3A_359 = arith.addi %select_n3A_350, %broadcast_in_dim3A_49 : vector<16xi32>
        %select_n3A_360 = arith.select %ge3A_358, %add3A_359, %select_n3A_350 : vector<16xi1>, vector<16xi32>
        scf.yield %select_n3A_360 : vector<16xi32>
      }
      %scan3A_144 = arith.constant 576 : i32
      %swap3A_145 = arith.constant 0 : index
      %swap3A_146 = tpu.vector_load %arg8[%swap3A_145] {strides = array<i32>} : memref<16xi32, #tpu.memory_space<vmem>>, vector<16xi32>,
      %swap3A_147 = vector.shape_cast %swap3A_146 : vector<16xi32> to vector<16xi32>
      %swap3A_148 = vector.shape_cast %scan3A_143 : vector<16xi32> to vector<16xi32>
      tpu.vector_store %arg8[%swap3A_145], %swap3A_148 {strides = array<i32>} : memref<16xi32, #tpu.memory_space<vmem>>, vector<16xi32>,
      %get3A_149 = arith.constant 0 : index
      %get3A_150 = tpu.vector_load %arg8[%get3A_149] {strides = array<i32>} : memref<16xi32, #tpu.memory_space<vmem>>, vector<16xi32>,
      %get3A_151 = vector.shape_cast %get3A_150 : vector<16xi32> to vector<16xi32>
      %slice3A_152 = vector.extract_strided_slice %get3A_151 {offsets = [0], sizes = [1], strides = [1]} : vector<16xi32> to vector<1xi32>
      %squeeze3A_153 = vector.extract %slice3A_152[0] : i32 from vector<1xi32>
      %slice3A_154 = vector.extract_strided_slice %get3A_151 {offsets = [1], sizes = [1], strides = [1]} : vector<16xi32> to vector<1xi32>
      %squeeze3A_155 = vector.extract %slice3A_154[0] : i32 from vector<1xi32>
      %add3A_156 = arith.addi %squeeze3A_153, %squeeze3A_155 : i32
      %slice3A_157 = vector.extract_strided_slice %get3A_151 {offsets = [2], sizes = [1], strides = [1]} : vector<16xi32> to vector<1xi32>
      %squeeze3A_158 = vector.extract %slice3A_157[0] : i32 from vector<1xi32>
      %add3A_159 = arith.addi %add3A_156, %squeeze3A_158 : i32
      %slice3A_160 = vector.extract_strided_slice %get3A_151 {offsets = [3], sizes = [1], strides = [1]} : vector<16xi32> to vector<1xi32>
      %squeeze3A_161 = vector.extract %slice3A_160[0] : i32 from vector<1xi32>
      %add3A_162 = arith.addi %add3A_159, %squeeze3A_161 : i32
      %slice3A_163 = vector.extract_strided_slice %get3A_151 {offsets = [4], sizes = [1], strides = [1]} : vector<16xi32> to vector<1xi32>
      %squeeze3A_164 = vector.extract %slice3A_163[0] : i32 from vector<1xi32>
      %add3A_165 = arith.addi %add3A_162, %squeeze3A_164 : i32
      %slice3A_166 = vector.extract_strided_slice %get3A_151 {offsets = [5], sizes = [1], strides = [1]} : vector<16xi32> to vector<1xi32>
      %squeeze3A_167 = vector.extract %slice3A_166[0] : i32 from vector<1xi32>
      %add3A_168 = arith.addi %add3A_165, %squeeze3A_167 : i32
      %slice3A_169 = vector.extract_strided_slice %get3A_151 {offsets = [6], sizes = [1], strides = [1]} : vector<16xi32> to vector<1xi32>
      %squeeze3A_170 = vector.extract %slice3A_169[0] : i32 from vector<1xi32>
      %add3A_171 = arith.addi %add3A_168, %squeeze3A_170 : i32
      %slice3A_172 = vector.extract_strided_slice %get3A_151 {offsets = [7], sizes = [1], strides = [1]} : vector<16xi32> to vector<1xi32>
      %squeeze3A_173 = vector.extract %slice3A_172[0] : i32 from vector<1xi32>
      %add3A_174 = arith.addi %add3A_171, %squeeze3A_173 : i32
      %slice3A_175 = vector.extract_strided_slice %get3A_151 {offsets = [8], sizes = [1], strides = [1]} : vector<16xi32> to vector<1xi32>
      %squeeze3A_176 = vector.extract %slice3A_175[0] : i32 from vector<1xi32>
      %add3A_177 = arith.addi %add3A_174, %squeeze3A_176 : i32
      %slice3A_178 = vector.extract_strided_slice %get3A_151 {offsets = [9], sizes = [1], strides = [1]} : vector<16xi32> to vector<1xi32>
      %squeeze3A_179 = vector.extract %slice3A_178[0] : i32 from vector<1xi32>
      %add3A_180 = arith.addi %add3A_177, %squeeze3A_179 : i32
      %slice3A_181 = vector.extract_strided_slice %get3A_151 {offsets = [10], sizes = [1], strides = [1]} : vector<16xi32> to vector<1xi32>
      %squeeze3A_182 = vector.extract %slice3A_181[0] : i32 from vector<1xi32>
      %add3A_183 = arith.addi %add3A_180, %squeeze3A_182 : i32
      %slice3A_184 = vector.extract_strided_slice %get3A_151 {offsets = [11], sizes = [1], strides = [1]} : vector<16xi32> to vector<1xi32>
      %squeeze3A_185 = vector.extract %slice3A_184[0] : i32 from vector<1xi32>
      %add3A_186 = arith.addi %add3A_183, %squeeze3A_185 : i32
      %slice3A_187 = vector.extract_strided_slice %get3A_151 {offsets = [12], sizes = [1], strides = [1]} : vector<16xi32> to vector<1xi32>
      %squeeze3A_188 = vector.extract %slice3A_187[0] : i32 from vector<1xi32>
      %add3A_189 = arith.addi %add3A_186, %squeeze3A_188 : i32
      %slice3A_190 = vector.extract_strided_slice %get3A_151 {offsets = [13], sizes = [1], strides = [1]} : vector<16xi32> to vector<1xi32>
      %squeeze3A_191 = vector.extract %slice3A_190[0] : i32 from vector<1xi32>
      %add3A_192 = arith.addi %add3A_189, %squeeze3A_191 : i32
      %slice3A_193 = vector.extract_strided_slice %get3A_151 {offsets = [14], sizes = [1], strides = [1]} : vector<16xi32> to vector<1xi32>
      %squeeze3A_194 = vector.extract %slice3A_193[0] : i32 from vector<1xi32>
      %add3A_195 = arith.addi %add3A_192, %squeeze3A_194 : i32
      %slice3A_196 = vector.extract_strided_slice %get3A_151 {offsets = [15], sizes = [1], strides = [1]} : vector<16xi32> to vector<1xi32>
      %squeeze3A_197 = vector.extract %slice3A_196[0] : i32 from vector<1xi32>
      %add3A_198 = arith.addi %add3A_195, %squeeze3A_197 : i32
      %ge3A = arith.cmpi sge, %add3A_198, %min3A : i32
      %select_n3A_199 = arith.select %ge3A, %shift_right_arithmetic3A_135, %scan3A_132 : i32
      %select_n3A_200 = arith.select %ge3A, %scan3A_133, %shift_right_arithmetic3A_135 : i32
      scf.yield %select_n3A_199, %select_n3A_200 : i32, i32
    }
    %scan3A_123 = arith.constant 30 : i32
    %broadcast_in_dim3A_124 = vector.broadcast %scan3A_122#0 : i32 to vector<16xi32>
    %scan3A_125 = arith.constant 0 : i32
    %scan3A_126 = arith.constant 0 : i32
    %scan3A_127 = arith.constant 576 : i32
    %scan3A_128 = arith.addi %scan3A_126, %scan3A_127 : i32
    %scan3A_129 = arith.constant 16 : i32
    scf.for %scan3A_131 = %scan3A_126 to %scan3A_128 step %scan3A_129  : i32 {
      %mul3A_132 = arith.constant 16 : i32
      %mul3A_133 = arith.muli %scan3A_131, %mul3A_132 : i32
      %get3A_134 = arith.index_cast %mul3A_133 : i32 to index
      %get3A_135 = tpu.vector_load %arg5[%get3A_134] {strides = array<i32>} : memref<9216xi32, #tpu.memory_space<vmem>>, vector<16xi32>,
      %get3A_136 = vector.shape_cast %get3A_135 : vector<16xi32> to vector<16xi32>
      %ge3A = arith.cmpi sge, %get3A_136, %broadcast_in_dim3A_124 : vector<16xi32>
      %select_n3A_137 = arith.select %ge3A, %broadcast_in_dim3A_49, %broadcast_in_dim3A_51 : vector<16xi1>, vector<16xi32>
      %swap3A_138 = arith.index_cast %mul3A_133 : i32 to index
      %swap3A_139 = tpu.vector_load %arg6[%swap3A_138] {strides = array<i32>} : memref<9216xi32, #tpu.memory_space<vmem>>, vector<16xi32>,
      %swap3A_140 = vector.shape_cast %swap3A_139 : vector<16xi32> to vector<16xi32>
      %swap3A_141 = vector.shape_cast %select_n3A_137 : vector<16xi32> to vector<16xi32>
      tpu.vector_store %arg6[%swap3A_138], %swap3A_141 {strides = array<i32>} : memref<9216xi32, #tpu.memory_space<vmem>>, vector<16xi32>,
      %scan3A_142 = arith.constant 1 : i32
      %scan3A_143 = arith.addi %scan3A_131, %scan3A_142 : i32
      %mul3A_144 = arith.constant 16 : i32
      %mul3A_145 = arith.muli %scan3A_143, %mul3A_144 : i32
      %get3A_146 = arith.index_cast %mul3A_145 : i32 to index
      %get3A_147 = tpu.vector_load %arg5[%get3A_146] {strides = array<i32>} : memref<9216xi32, #tpu.memory_space<vmem>>, vector<16xi32>,
      %get3A_148 = vector.shape_cast %get3A_147 : vector<16xi32> to vector<16xi32>
      %ge3A_149 = arith.cmpi sge, %get3A_148, %broadcast_in_dim3A_124 : vector<16xi32>
      %select_n3A_150 = arith.select %ge3A_149, %broadcast_in_dim3A_49, %broadcast_in_dim3A_51 : vector<16xi1>, vector<16xi32>
      %swap3A_151 = arith.index_cast %mul3A_145 : i32 to index
      %swap3A_152 = tpu.vector_load %arg6[%swap3A_151] {strides = array<i32>} : memref<9216xi32, #tpu.memory_space<vmem>>, vector<16xi32>,
      %swap3A_153 = vector.shape_cast %swap3A_152 : vector<16xi32> to vector<16xi32>
      %swap3A_154 = vector.shape_cast %select_n3A_150 : vector<16xi32> to vector<16xi32>
      tpu.vector_store %arg6[%swap3A_151], %swap3A_154 {strides = array<i32>} : memref<9216xi32, #tpu.memory_space<vmem>>, vector<16xi32>,
      %scan3A_155 = arith.constant 2 : i32
      %scan3A_156 = arith.addi %scan3A_131, %scan3A_155 : i32
      %mul3A_157 = arith.constant 16 : i32
      %mul3A_158 = arith.muli %scan3A_156, %mul3A_157 : i32
      %get3A_159 = arith.index_cast %mul3A_158 : i32 to index
      %get3A_160 = tpu.vector_load %arg5[%get3A_159] {strides = array<i32>} : memref<9216xi32, #tpu.memory_space<vmem>>, vector<16xi32>,
      %get3A_161 = vector.shape_cast %get3A_160 : vector<16xi32> to vector<16xi32>
      %ge3A_162 = arith.cmpi sge, %get3A_161, %broadcast_in_dim3A_124 : vector<16xi32>
      %select_n3A_163 = arith.select %ge3A_162, %broadcast_in_dim3A_49, %broadcast_in_dim3A_51 : vector<16xi1>, vector<16xi32>
      %swap3A_164 = arith.index_cast %mul3A_158 : i32 to index
      %swap3A_165 = tpu.vector_load %arg6[%swap3A_164] {strides = array<i32>} : memref<9216xi32, #tpu.memory_space<vmem>>, vector<16xi32>,
      %swap3A_166 = vector.shape_cast %swap3A_165 : vector<16xi32> to vector<16xi32>
      %swap3A_167 = vector.shape_cast %select_n3A_163 : vector<16xi32> to vector<16xi32>
      tpu.vector_store %arg6[%swap3A_164], %swap3A_167 {strides = array<i32>} : memref<9216xi32, #tpu.memory_space<vmem>>, vector<16xi32>,
      %scan3A_168 = arith.constant 3 : i32
      %scan3A_169 = arith.addi %scan3A_131, %scan3A_168 : i32
      %mul3A_170 = arith.constant 16 : i32
      %mul3A_171 = arith.muli %scan3A_169, %mul3A_170 : i32
      %get3A_172 = arith.index_cast %mul3A_171 : i32 to index
      %get3A_173 = tpu.vector_load %arg5[%get3A_172] {strides = array<i32>} : memref<9216xi32, #tpu.memory_space<vmem>>, vector<16xi32>,
      %get3A_174 = vector.shape_cast %get3A_173 : vector<16xi32> to vector<16xi32>
      %ge3A_175 = arith.cmpi sge, %get3A_174, %broadcast_in_dim3A_124 : vector<16xi32>
      %select_n3A_176 = arith.select %ge3A_175, %broadcast_in_dim3A_49, %broadcast_in_dim3A_51 : vector<16xi1>, vector<16xi32>
      %swap3A_177 = arith.index_cast %mul3A_171 : i32 to index
      %swap3A_178 = tpu.vector_load %arg6[%swap3A_177] {strides = array<i32>} : memref<9216xi32, #tpu.memory_space<vmem>>, vector<16xi32>,
      %swap3A_179 = vector.shape_cast %swap3A_178 : vector<16xi32> to vector<16xi32>
      %swap3A_180 = vector.shape_cast %select_n3A_176 : vector<16xi32> to vector<16xi32>
      tpu.vector_store %arg6[%swap3A_177], %swap3A_180 {strides = array<i32>} : memref<9216xi32, #tpu.memory_space<vmem>>, vector<16xi32>,
      %scan3A_181 = arith.constant 4 : i32
      %scan3A_182 = arith.addi %scan3A_131, %scan3A_181 : i32
      %mul3A_183 = arith.constant 16 : i32
      %mul3A_184 = arith.muli %scan3A_182, %mul3A_183 : i32
      %get3A_185 = arith.index_cast %mul3A_184 : i32 to index
      %get3A_186 = tpu.vector_load %arg5[%get3A_185] {strides = array<i32>} : memref<9216xi32, #tpu.memory_space<vmem>>, vector<16xi32>,
      %get3A_187 = vector.shape_cast %get3A_186 : vector<16xi32> to vector<16xi32>
      %ge3A_188 = arith.cmpi sge, %get3A_187, %broadcast_in_dim3A_124 : vector<16xi32>
      %select_n3A_189 = arith.select %ge3A_188, %broadcast_in_dim3A_49, %broadcast_in_dim3A_51 : vector<16xi1>, vector<16xi32>
      %swap3A_190 = arith.index_cast %mul3A_184 : i32 to index
      %swap3A_191 = tpu.vector_load %arg6[%swap3A_190] {strides = array<i32>} : memref<9216xi32, #tpu.memory_space<vmem>>, vector<16xi32>,
      %swap3A_192 = vector.shape_cast %swap3A_191 : vector<16xi32> to vector<16xi32>
      %swap3A_193 = vector.shape_cast %select_n3A_189 : vector<16xi32> to vector<16xi32>
      tpu.vector_store %arg6[%swap3A_190], %swap3A_193 {strides = array<i32>} : memref<9216xi32, #tpu.memory_space<vmem>>, vector<16xi32>,
      %scan3A_194 = arith.constant 5 : i32
      %scan3A_195 = arith.addi %scan3A_131, %scan3A_194 : i32
      %mul3A_196 = arith.constant 16 : i32
      %mul3A_197 = arith.muli %scan3A_195, %mul3A_196 : i32
      %get3A_198 = arith.index_cast %mul3A_197 : i32 to index
      %get3A_199 = tpu.vector_load %arg5[%get3A_198] {strides = array<i32>} : memref<9216xi32, #tpu.memory_space<vmem>>, vector<16xi32>,
      %get3A_200 = vector.shape_cast %get3A_199 : vector<16xi32> to vector<16xi32>
      %ge3A_201 = arith.cmpi sge, %get3A_200, %broadcast_in_dim3A_124 : vector<16xi32>
      %select_n3A_202 = arith.select %ge3A_201, %broadcast_in_dim3A_49, %broadcast_in_dim3A_51 : vector<16xi1>, vector<16xi32>
      %swap3A_203 = arith.index_cast %mul3A_197 : i32 to index
      %swap3A_204 = tpu.vector_load %arg6[%swap3A_203] {strides = array<i32>} : memref<9216xi32, #tpu.memory_space<vmem>>, vector<16xi32>,
      %swap3A_205 = vector.shape_cast %swap3A_204 : vector<16xi32> to vector<16xi32>
      %swap3A_206 = vector.shape_cast %select_n3A_202 : vector<16xi32> to vector<16xi32>
      tpu.vector_store %arg6[%swap3A_203], %swap3A_206 {strides = array<i32>} : memref<9216xi32, #tpu.memory_space<vmem>>, vector<16xi32>,
      %scan3A_207 = arith.constant 6 : i32
      %scan3A_208 = arith.addi %scan3A_131, %scan3A_207 : i32
      %mul3A_209 = arith.constant 16 : i32
      %mul3A_210 = arith.muli %scan3A_208, %mul3A_209 : i32
      %get3A_211 = arith.index_cast %mul3A_210 : i32 to index
      %get3A_212 = tpu.vector_load %arg5[%get3A_211] {strides = array<i32>} : memref<9216xi32, #tpu.memory_space<vmem>>, vector<16xi32>,
      %get3A_213 = vector.shape_cast %get3A_212 : vector<16xi32> to vector<16xi32>
      %ge3A_214 = arith.cmpi sge, %get3A_213, %broadcast_in_dim3A_124 : vector<16xi32>
      %select_n3A_215 = arith.select %ge3A_214, %broadcast_in_dim3A_49, %broadcast_in_dim3A_51 : vector<16xi1>, vector<16xi32>
      %swap3A_216 = arith.index_cast %mul3A_210 : i32 to index
      %swap3A_217 = tpu.vector_load %arg6[%swap3A_216] {strides = array<i32>} : memref<9216xi32, #tpu.memory_space<vmem>>, vector<16xi32>,
      %swap3A_218 = vector.shape_cast %swap3A_217 : vector<16xi32> to vector<16xi32>
      %swap3A_219 = vector.shape_cast %select_n3A_215 : vector<16xi32> to vector<16xi32>
      tpu.vector_store %arg6[%swap3A_216], %swap3A_219 {strides = array<i32>} : memref<9216xi32, #tpu.memory_space<vmem>>, vector<16xi32>,
      %scan3A_220 = arith.constant 7 : i32
      %scan3A_221 = arith.addi %scan3A_131, %scan3A_220 : i32
      %mul3A_222 = arith.constant 16 : i32
      %mul3A_223 = arith.muli %scan3A_221, %mul3A_222 : i32
      %get3A_224 = arith.index_cast %mul3A_223 : i32 to index
      %get3A_225 = tpu.vector_load %arg5[%get3A_224] {strides = array<i32>} : memref<9216xi32, #tpu.memory_space<vmem>>, vector<16xi32>,
      %get3A_226 = vector.shape_cast %get3A_225 : vector<16xi32> to vector<16xi32>
      %ge3A_227 = arith.cmpi sge, %get3A_226, %broadcast_in_dim3A_124 : vector<16xi32>
      %select_n3A_228 = arith.select %ge3A_227, %broadcast_in_dim3A_49, %broadcast_in_dim3A_51 : vector<16xi1>, vector<16xi32>
      %swap3A_229 = arith.index_cast %mul3A_223 : i32 to index
      %swap3A_230 = tpu.vector_load %arg6[%swap3A_229] {strides = array<i32>} : memref<9216xi32, #tpu.memory_space<vmem>>, vector<16xi32>,
      %swap3A_231 = vector.shape_cast %swap3A_230 : vector<16xi32> to vector<16xi32>
      %swap3A_232 = vector.shape_cast %select_n3A_228 : vector<16xi32> to vector<16xi32>
      tpu.vector_store %arg6[%swap3A_229], %swap3A_232 {strides = array<i32>} : memref<9216xi32, #tpu.memory_space<vmem>>, vector<16xi32>,
      %scan3A_233 = arith.constant 8 : i32
      %scan3A_234 = arith.addi %scan3A_131, %scan3A_233 : i32
      %mul3A_235 = arith.constant 16 : i32
      %mul3A_236 = arith.muli %scan3A_234, %mul3A_235 : i32
      %get3A_237 = arith.index_cast %mul3A_236 : i32 to index
      %get3A_238 = tpu.vector_load %arg5[%get3A_237] {strides = array<i32>} : memref<9216xi32, #tpu.memory_space<vmem>>, vector<16xi32>,
      %get3A_239 = vector.shape_cast %get3A_238 : vector<16xi32> to vector<16xi32>
      %ge3A_240 = arith.cmpi sge, %get3A_239, %broadcast_in_dim3A_124 : vector<16xi32>
      %select_n3A_241 = arith.select %ge3A_240, %broadcast_in_dim3A_49, %broadcast_in_dim3A_51 : vector<16xi1>, vector<16xi32>
      %swap3A_242 = arith.index_cast %mul3A_236 : i32 to index
      %swap3A_243 = tpu.vector_load %arg6[%swap3A_242] {strides = array<i32>} : memref<9216xi32, #tpu.memory_space<vmem>>, vector<16xi32>,
      %swap3A_244 = vector.shape_cast %swap3A_243 : vector<16xi32> to vector<16xi32>
      %swap3A_245 = vector.shape_cast %select_n3A_241 : vector<16xi32> to vector<16xi32>
      tpu.vector_store %arg6[%swap3A_242], %swap3A_245 {strides = array<i32>} : memref<9216xi32, #tpu.memory_space<vmem>>, vector<16xi32>,
      %scan3A_246 = arith.constant 9 : i32
      %scan3A_247 = arith.addi %scan3A_131, %scan3A_246 : i32
      %mul3A_248 = arith.constant 16 : i32
      %mul3A_249 = arith.muli %scan3A_247, %mul3A_248 : i32
      %get3A_250 = arith.index_cast %mul3A_249 : i32 to index
      %get3A_251 = tpu.vector_load %arg5[%get3A_250] {strides = array<i32>} : memref<9216xi32, #tpu.memory_space<vmem>>, vector<16xi32>,
      %get3A_252 = vector.shape_cast %get3A_251 : vector<16xi32> to vector<16xi32>
      %ge3A_253 = arith.cmpi sge, %get3A_252, %broadcast_in_dim3A_124 : vector<16xi32>
      %select_n3A_254 = arith.select %ge3A_253, %broadcast_in_dim3A_49, %broadcast_in_dim3A_51 : vector<16xi1>, vector<16xi32>
      %swap3A_255 = arith.index_cast %mul3A_249 : i32 to index
      %swap3A_256 = tpu.vector_load %arg6[%swap3A_255] {strides = array<i32>} : memref<9216xi32, #tpu.memory_space<vmem>>, vector<16xi32>,
      %swap3A_257 = vector.shape_cast %swap3A_256 : vector<16xi32> to vector<16xi32>
      %swap3A_258 = vector.shape_cast %select_n3A_254 : vector<16xi32> to vector<16xi32>
      tpu.vector_store %arg6[%swap3A_255], %swap3A_258 {strides = array<i32>} : memref<9216xi32, #tpu.memory_space<vmem>>, vector<16xi32>,
      %scan3A_259 = arith.constant 10 : i32
      %scan3A_260 = arith.addi %scan3A_131, %scan3A_259 : i32
      %mul3A_261 = arith.constant 16 : i32
      %mul3A_262 = arith.muli %scan3A_260, %mul3A_261 : i32
      %get3A_263 = arith.index_cast %mul3A_262 : i32 to index
      %get3A_264 = tpu.vector_load %arg5[%get3A_263] {strides = array<i32>} : memref<9216xi32, #tpu.memory_space<vmem>>, vector<16xi32>,
      %get3A_265 = vector.shape_cast %get3A_264 : vector<16xi32> to vector<16xi32>
      %ge3A_266 = arith.cmpi sge, %get3A_265, %broadcast_in_dim3A_124 : vector<16xi32>
      %select_n3A_267 = arith.select %ge3A_266, %broadcast_in_dim3A_49, %broadcast_in_dim3A_51 : vector<16xi1>, vector<16xi32>
      %swap3A_268 = arith.index_cast %mul3A_262 : i32 to index
      %swap3A_269 = tpu.vector_load %arg6[%swap3A_268] {strides = array<i32>} : memref<9216xi32, #tpu.memory_space<vmem>>, vector<16xi32>,
      %swap3A_270 = vector.shape_cast %swap3A_269 : vector<16xi32> to vector<16xi32>
      %swap3A_271 = vector.shape_cast %select_n3A_267 : vector<16xi32> to vector<16xi32>
      tpu.vector_store %arg6[%swap3A_268], %swap3A_271 {strides = array<i32>} : memref<9216xi32, #tpu.memory_space<vmem>>, vector<16xi32>,
      %scan3A_272 = arith.constant 11 : i32
      %scan3A_273 = arith.addi %scan3A_131, %scan3A_272 : i32
      %mul3A_274 = arith.constant 16 : i32
      %mul3A_275 = arith.muli %scan3A_273, %mul3A_274 : i32
      %get3A_276 = arith.index_cast %mul3A_275 : i32 to index
      %get3A_277 = tpu.vector_load %arg5[%get3A_276] {strides = array<i32>} : memref<9216xi32, #tpu.memory_space<vmem>>, vector<16xi32>,
      %get3A_278 = vector.shape_cast %get3A_277 : vector<16xi32> to vector<16xi32>
      %ge3A_279 = arith.cmpi sge, %get3A_278, %broadcast_in_dim3A_124 : vector<16xi32>
      %select_n3A_280 = arith.select %ge3A_279, %broadcast_in_dim3A_49, %broadcast_in_dim3A_51 : vector<16xi1>, vector<16xi32>
      %swap3A_281 = arith.index_cast %mul3A_275 : i32 to index
      %swap3A_282 = tpu.vector_load %arg6[%swap3A_281] {strides = array<i32>} : memref<9216xi32, #tpu.memory_space<vmem>>, vector<16xi32>,
      %swap3A_283 = vector.shape_cast %swap3A_282 : vector<16xi32> to vector<16xi32>
      %swap3A_284 = vector.shape_cast %select_n3A_280 : vector<16xi32> to vector<16xi32>
      tpu.vector_store %arg6[%swap3A_281], %swap3A_284 {strides = array<i32>} : memref<9216xi32, #tpu.memory_space<vmem>>, vector<16xi32>,
      %scan3A_285 = arith.constant 12 : i32
      %scan3A_286 = arith.addi %scan3A_131, %scan3A_285 : i32
      %mul3A_287 = arith.constant 16 : i32
      %mul3A_288 = arith.muli %scan3A_286, %mul3A_287 : i32
      %get3A_289 = arith.index_cast %mul3A_288 : i32 to index
      %get3A_290 = tpu.vector_load %arg5[%get3A_289] {strides = array<i32>} : memref<9216xi32, #tpu.memory_space<vmem>>, vector<16xi32>,
      %get3A_291 = vector.shape_cast %get3A_290 : vector<16xi32> to vector<16xi32>
      %ge3A_292 = arith.cmpi sge, %get3A_291, %broadcast_in_dim3A_124 : vector<16xi32>
      %select_n3A_293 = arith.select %ge3A_292, %broadcast_in_dim3A_49, %broadcast_in_dim3A_51 : vector<16xi1>, vector<16xi32>
      %swap3A_294 = arith.index_cast %mul3A_288 : i32 to index
      %swap3A_295 = tpu.vector_load %arg6[%swap3A_294] {strides = array<i32>} : memref<9216xi32, #tpu.memory_space<vmem>>, vector<16xi32>,
      %swap3A_296 = vector.shape_cast %swap3A_295 : vector<16xi32> to vector<16xi32>
      %swap3A_297 = vector.shape_cast %select_n3A_293 : vector<16xi32> to vector<16xi32>
      tpu.vector_store %arg6[%swap3A_294], %swap3A_297 {strides = array<i32>} : memref<9216xi32, #tpu.memory_space<vmem>>, vector<16xi32>,
      %scan3A_298 = arith.constant 13 : i32
      %scan3A_299 = arith.addi %scan3A_131, %scan3A_298 : i32
      %mul3A_300 = arith.constant 16 : i32
      %mul3A_301 = arith.muli %scan3A_299, %mul3A_300 : i32
      %get3A_302 = arith.index_cast %mul3A_301 : i32 to index
      %get3A_303 = tpu.vector_load %arg5[%get3A_302] {strides = array<i32>} : memref<9216xi32, #tpu.memory_space<vmem>>, vector<16xi32>,
      %get3A_304 = vector.shape_cast %get3A_303 : vector<16xi32> to vector<16xi32>
      %ge3A_305 = arith.cmpi sge, %get3A_304, %broadcast_in_dim3A_124 : vector<16xi32>
      %select_n3A_306 = arith.select %ge3A_305, %broadcast_in_dim3A_49, %broadcast_in_dim3A_51 : vector<16xi1>, vector<16xi32>
      %swap3A_307 = arith.index_cast %mul3A_301 : i32 to index
      %swap3A_308 = tpu.vector_load %arg6[%swap3A_307] {strides = array<i32>} : memref<9216xi32, #tpu.memory_space<vmem>>, vector<16xi32>,
      %swap3A_309 = vector.shape_cast %swap3A_308 : vector<16xi32> to vector<16xi32>
      %swap3A_310 = vector.shape_cast %select_n3A_306 : vector<16xi32> to vector<16xi32>
      tpu.vector_store %arg6[%swap3A_307], %swap3A_310 {strides = array<i32>} : memref<9216xi32, #tpu.memory_space<vmem>>, vector<16xi32>,
      %scan3A_311 = arith.constant 14 : i32
      %scan3A_312 = arith.addi %scan3A_131, %scan3A_311 : i32
      %mul3A_313 = arith.constant 16 : i32
      %mul3A_314 = arith.muli %scan3A_312, %mul3A_313 : i32
      %get3A_315 = arith.index_cast %mul3A_314 : i32 to index
      %get3A_316 = tpu.vector_load %arg5[%get3A_315] {strides = array<i32>} : memref<9216xi32, #tpu.memory_space<vmem>>, vector<16xi32>,
      %get3A_317 = vector.shape_cast %get3A_316 : vector<16xi32> to vector<16xi32>
      %ge3A_318 = arith.cmpi sge, %get3A_317, %broadcast_in_dim3A_124 : vector<16xi32>
      %select_n3A_319 = arith.select %ge3A_318, %broadcast_in_dim3A_49, %broadcast_in_dim3A_51 : vector<16xi1>, vector<16xi32>
      %swap3A_320 = arith.index_cast %mul3A_314 : i32 to index
      %swap3A_321 = tpu.vector_load %arg6[%swap3A_320] {strides = array<i32>} : memref<9216xi32, #tpu.memory_space<vmem>>, vector<16xi32>,
      %swap3A_322 = vector.shape_cast %swap3A_321 : vector<16xi32> to vector<16xi32>
      %swap3A_323 = vector.shape_cast %select_n3A_319 : vector<16xi32> to vector<16xi32>
      tpu.vector_store %arg6[%swap3A_320], %swap3A_323 {strides = array<i32>} : memref<9216xi32, #tpu.memory_space<vmem>>, vector<16xi32>,
      %scan3A_324 = arith.constant 15 : i32
      %scan3A_325 = arith.addi %scan3A_131, %scan3A_324 : i32
      %mul3A_326 = arith.constant 16 : i32
      %mul3A_327 = arith.muli %scan3A_325, %mul3A_326 : i32
      %get3A_328 = arith.index_cast %mul3A_327 : i32 to index
      %get3A_329 = tpu.vector_load %arg5[%get3A_328] {strides = array<i32>} : memref<9216xi32, #tpu.memory_space<vmem>>, vector<16xi32>,
      %get3A_330 = vector.shape_cast %get3A_329 : vector<16xi32> to vector<16xi32>
      %ge3A_331 = arith.cmpi sge, %get3A_330, %broadcast_in_dim3A_124 : vector<16xi32>
      %select_n3A_332 = arith.select %ge3A_331, %broadcast_in_dim3A_49, %broadcast_in_dim3A_51 : vector<16xi1>, vector<16xi32>
      %swap3A_333 = arith.index_cast %mul3A_327 : i32 to index
      %swap3A_334 = tpu.vector_load %arg6[%swap3A_333] {strides = array<i32>} : memref<9216xi32, #tpu.memory_space<vmem>>, vector<16xi32>,
      %swap3A_335 = vector.shape_cast %swap3A_334 : vector<16xi32> to vector<16xi32>
      %swap3A_336 = vector.shape_cast %select_n3A_332 : vector<16xi32> to vector<16xi32>
      tpu.vector_store %arg6[%swap3A_333], %swap3A_336 {strides = array<i32>} : memref<9216xi32, #tpu.memory_space<vmem>>, vector<16xi32>,
    }
    %scan3A_130 = arith.constant 576 : i32
    "tpu.region"() ({
      %run_scoped3A = tpu.sem_alloc : memref<!tpu.dma_semaphore, #tpu.memory_space<semaphore_mem>>
      %dma_start3A = arith.constant 0 : i32
      %dma_start3A_131 = tpu.memref_slice %arg4[%add3A, %dma_start3A] : memref<32x9216xi32, #tpu.memory_space<hbm>> -> memref<1x9216xi32, #tpu.memory_space<hbm>>
      %dma_start3A_132 = tpu.memref_squeeze %dma_start3A_131 : memref<1x9216xi32, #tpu.memory_space<hbm>> -> memref<9216xi32, #tpu.memory_space<hbm>>
      %dma_start3A_133 = arith.constant 0 : i32
      %dma_start3A_134 = tpu.memref_slice %arg4[%add3A, %dma_start3A_133] : memref<32x9216xi32, #tpu.memory_space<hbm>> -> memref<1x9216xi32, #tpu.memory_space<hbm>>
      %dma_start3A_135 = tpu.memref_squeeze %dma_start3A_134 : memref<1x9216xi32, #tpu.memory_space<hbm>> -> memref<9216xi32, #tpu.memory_space<hbm>>
      tpu.enqueue_dma source(%arg6 : memref<9216xi32, #tpu.memory_space<vmem>>) target(%dma_start3A_135 : memref<9216xi32, #tpu.memory_space<hbm>>) target_semaphore(%run_scoped3A : memref<!tpu.dma_semaphore, #tpu.memory_space<semaphore_mem>>)
      %dma_wait3A = arith.constant 0 : i32
      %dma_wait3A_136 = tpu.memref_slice %arg4[%add3A, %dma_wait3A] : memref<32x9216xi32, #tpu.memory_space<hbm>> -> memref<1x9216xi32, #tpu.memory_space<hbm>>
      %dma_wait3A_137 = tpu.memref_squeeze %dma_wait3A_136 : memref<1x9216xi32, #tpu.memory_space<hbm>> -> memref<9216xi32, #tpu.memory_space<hbm>>
      %dma_wait3A_138 = arith.constant 0 : i32
      %dma_wait3A_139 = tpu.memref_slice %arg4[%add3A, %dma_wait3A_138] : memref<32x9216xi32, #tpu.memory_space<hbm>> -> memref<1x9216xi32, #tpu.memory_space<hbm>>
      %dma_wait3A_140 = tpu.memref_squeeze %dma_wait3A_139 : memref<1x9216xi32, #tpu.memory_space<hbm>> -> memref<9216xi32, #tpu.memory_space<hbm>>
      tpu.wait_dma2 semaphore(%run_scoped3A : memref<!tpu.dma_semaphore, #tpu.memory_space<semaphore_mem>>) src(%arg6 : memref<9216xi32, #tpu.memory_space<vmem>>) dst(%dma_wait3A_140 : memref<9216xi32, #tpu.memory_space<hbm>>)
      tpu.yield
    }) : () -> ()
    return
  }
}

module attributes {stable_mosaic.version = 14 : i64} {
  func.func @_proj_body(%arg0: i32, %arg1: memref<768x128xf32, #tpu.memory_space<vmem>>, %arg2: memref<1x128xf32, #tpu.memory_space<vmem>>, %arg3: memref<2048x768xf32, #tpu.memory_space<vmem>>, %arg4: memref<1x1x2048xi32, #tpu.memory_space<vmem>>, %arg5: memref<1x1x2048xi32, #tpu.memory_space<vmem>>, %arg6: memref<8x2048xf32, #tpu.memory_space<vmem>>, %arg7: memref<8x2048xi32, #tpu.memory_space<vmem>>) attributes {dimension_semantics = [#tpu.dimension_semantics<arbitrary>], iteration_bounds = array<i64: 18>, scalar_prefetch = 0 : i64, scratch_operands = 0 : i64, tpu.core_type = #tpu.core_type<tc>, window_params = [{pipeline_mode = #tpu.pipeline_mode<synchronous>, transform_indices = @transform_0, window_bounds = array<i64: 768, 128>}, {pipeline_mode = #tpu.pipeline_mode<synchronous>, transform_indices = @transform_1, window_bounds = array<i64: 1, 128>}, {transform_indices = @transform_2, window_bounds = array<i64: 2048, 768>}, {transform_indices = @transform_3, window_bounds = array<i64: 1, 1, 2048>}, {transform_indices = @transform_4, window_bounds = array<i64: 1, 1, 2048>}, {transform_indices = @transform_5, window_bounds = array<i64: 8, 2048>}, {transform_indices = @transform_6, window_bounds = array<i64: 8, 2048>}]} {
    %get3A = arith.constant 0 : index
    %get3A_0 = arith.constant 0 : index
    %get3A_1 = vector.load %arg3[%get3A, %get3A_0] : memref<2048x768xf32, #tpu.memory_space<vmem>>, vector<2048x768xf32>
    %convert_element_type3A = arith.truncf %get3A_1 : vector<2048x768xf32> to vector<2048x768xbf16>
    %get3A_2 = arith.constant 0 : index
    %get3A_3 = arith.constant 0 : index
    %get3A_4 = vector.load %arg1[%get3A_2, %get3A_3] : memref<768x128xf32, #tpu.memory_space<vmem>>, vector<768x128xf32>
    %convert_element_type3A_5 = arith.truncf %get3A_4 : vector<768x128xf32> to vector<768x128xbf16>
    %dot_general3A = arith.constant dense<0.000000e+00> : vector<2048x128xf32>
    %dot_general3A_6 = tpu.matmul %convert_element_type3A, %convert_element_type3A_5, %dot_general3A {dimension_numbers = #tpu.dot_dimension_numbers<[1], [0], [0], [1], [0, 0, 1, 1], [], []>, transpose_lhs_hint = false} : vector<2048x768xbf16>, vector<768x128xbf16>, vector<2048x128xf32> -> vector<2048x128xf32>
    %get3A_7 = arith.constant 0 : index
    %get3A_8 = arith.constant 0 : index
    %get3A_9 = vector.load %arg2[%get3A_7, %get3A_8] : memref<1x128xf32, #tpu.memory_space<vmem>>, vector<1x128xf32>
    %add3A = vector.broadcast %get3A_9 : vector<1x128xf32> to vector<2048x128xf32>
    %add3A_10 = arith.addf %dot_general3A_6, %add3A : vector<2048x128xf32>
    %transpose3A = tpu.transpose %add3A_10, [1, 0] : vector<2048x128xf32> -> vector<128x2048xf32>
    %slice3A = vector.extract_strided_slice %transpose3A {offsets = [0, 0], sizes = [8, 2048], strides = [1, 1]} : vector<128x2048xf32> to vector<8x2048xf32>
    %swap3A = arith.constant 0 : index
    %swap3A_11 = arith.constant 0 : index
    %swap3A_12 = vector.load %arg6[%swap3A, %swap3A_11] : memref<8x2048xf32, #tpu.memory_space<vmem>>, vector<8x2048xf32>
    tpu.vector_store %arg6[%swap3A, %swap3A_11], %slice3A {strides = array<i32>} : memref<8x2048xf32, #tpu.memory_space<vmem>>, vector<8x2048xf32>,
    %slice3A_13 = vector.extract_strided_slice %slice3A {offsets = [0, 0], sizes = [1, 2048], strides = [1, 1]} : vector<8x2048xf32> to vector<1x2048xf32>
    %neg3A = arith.constant 0.000000e+00 : f32
    %neg3A_14 = vector.broadcast %neg3A : f32 to vector<1x2048xf32>
    %neg3A_15 = arith.subf %neg3A_14, %slice3A_13 : vector<1x2048xf32>
    %exp3A = math.exp %neg3A_15 : vector<1x2048xf32>
    %add3A_16 = arith.constant 1.000000e+00 : f32
    %add3A_17 = vector.broadcast %add3A_16 : f32 to vector<1x2048xf32>
    %add3A_18 = arith.addf %add3A_17, %exp3A : vector<1x2048xf32>
    %div3A = arith.constant 1.000000e+00 : f32
    %div3A_19 = vector.broadcast %div3A : f32 to vector<1x2048xf32>
    %div3A_20 = arith.divf %div3A_19, %add3A_18 : vector<1x2048xf32>
    %get3A_21 = arith.constant 0 : index
    %get3A_22 = arith.constant 0 : index
    %get3A_23 = arith.constant 0 : index
    %get3A_24 = vector.load %arg4[%get3A_21, %get3A_22, %get3A_23] : memref<1x1x2048xi32, #tpu.memory_space<vmem>>, vector<1x1x2048xi32>
    %get3A_25 = vector.shape_cast %get3A_24 : vector<1x1x2048xi32> to vector<1x2048xi32>
    %ge3A = arith.constant 0 : i32
    %ge3A_26 = vector.broadcast %ge3A : i32 to vector<1x2048xi32>
    %ge3A_27 = arith.cmpi sge, %get3A_25, %ge3A_26 : vector<1x2048xi32>
    %convert_element_type3A_28 = arith.extui %ge3A_27 : vector<1x2048xi1> to vector<1x2048xi32>
    %convert_element_type3A_29 = arith.sitofp %convert_element_type3A_28 : vector<1x2048xi32> to vector<1x2048xf32>
    %mul3A = arith.mulf %div3A_20, %convert_element_type3A_29 : vector<1x2048xf32>
    %slice3A_30 = vector.extract_strided_slice %slice3A {offsets = [1, 0], sizes = [1, 2048], strides = [1, 1]} : vector<8x2048xf32> to vector<1x2048xf32>
    %neg3A_31 = arith.constant 0.000000e+00 : f32
    %neg3A_32 = vector.broadcast %neg3A_31 : f32 to vector<1x2048xf32>
    %neg3A_33 = arith.subf %neg3A_32, %slice3A_30 : vector<1x2048xf32>
    %exp3A_34 = math.exp %neg3A_33 : vector<1x2048xf32>
    %add3A_35 = arith.constant 1.000000e+00 : f32
    %add3A_36 = vector.broadcast %add3A_35 : f32 to vector<1x2048xf32>
    %add3A_37 = arith.addf %add3A_36, %exp3A_34 : vector<1x2048xf32>
    %div3A_38 = arith.constant 1.000000e+00 : f32
    %div3A_39 = vector.broadcast %div3A_38 : f32 to vector<1x2048xf32>
    %div3A_40 = arith.divf %div3A_39, %add3A_37 : vector<1x2048xf32>
    %get3A_41 = arith.constant 0 : index
    %get3A_42 = arith.constant 0 : index
    %get3A_43 = arith.constant 0 : index
    %get3A_44 = vector.load %arg5[%get3A_41, %get3A_42, %get3A_43] : memref<1x1x2048xi32, #tpu.memory_space<vmem>>, vector<1x1x2048xi32>
    %get3A_45 = vector.shape_cast %get3A_44 : vector<1x1x2048xi32> to vector<1x2048xi32>
    %ge3A_46 = arith.constant 0 : i32
    %ge3A_47 = vector.broadcast %ge3A_46 : i32 to vector<1x2048xi32>
    %ge3A_48 = arith.cmpi sge, %get3A_45, %ge3A_47 : vector<1x2048xi32>
    %convert_element_type3A_49 = arith.extui %ge3A_48 : vector<1x2048xi1> to vector<1x2048xi32>
    %convert_element_type3A_50 = arith.sitofp %convert_element_type3A_49 : vector<1x2048xi32> to vector<1x2048xf32>
    %mul3A_51 = arith.mulf %div3A_40, %convert_element_type3A_50 : vector<1x2048xf32>
    %concatenate3A = tpu.concatenate %mul3A, %mul3A_51 in 0 : vector<1x2048xf32>, vector<1x2048xf32> -> vector<2x2048xf32>
    %bitcast_convert_type3A = tpu.bitcast %concatenate3A : vector<2x2048xf32> -> vector<2x2048xi32>
    %broadcast_in_dim3A = arith.constant 0 : i32
    %broadcast_in_dim3A_52 = vector.broadcast %broadcast_in_dim3A : i32 to vector<6x2048xi32>
    %concatenate3A_53 = tpu.concatenate %bitcast_convert_type3A, %broadcast_in_dim3A_52 in 0 : vector<2x2048xi32>, vector<6x2048xi32> -> vector<8x2048xi32>
    %swap3A_54 = arith.constant 0 : index
    %swap3A_55 = arith.constant 0 : index
    %swap3A_56 = vector.load %arg7[%swap3A_54, %swap3A_55] : memref<8x2048xi32, #tpu.memory_space<vmem>>, vector<8x2048xi32>
    tpu.vector_store %arg7[%swap3A_54, %swap3A_55], %concatenate3A_53 {strides = array<i32>} : memref<8x2048xi32, #tpu.memory_space<vmem>>, vector<8x2048xi32>,
    return
  }
  func.func @transform_0(%arg0: i32) -> (i32, i32) {
    %c0_i32 = arith.constant 0 : i32
    %c0_i32_0 = arith.constant 0 : i32
    %c0_i32_1 = arith.constant 0 : i32
    return %c0_i32, %c0_i32_0 : i32, i32
  }
  func.func @transform_1(%arg0: i32) -> (i32, i32) {
    %c0_i32 = arith.constant 0 : i32
    %c0_i32_0 = arith.constant 0 : i32
    %c0_i32_1 = arith.constant 0 : i32
    return %c0_i32, %c0_i32_0 : i32, i32
  }
  func.func @transform_2(%arg0: i32) -> (i32, i32) {
    %c0_i32 = arith.constant 0 : i32
    %c0_i32_0 = arith.constant 0 : i32
    return %arg0, %c0_i32 : i32, i32
  }
  func.func @transform_3(%arg0: i32) -> (i32, i32, i32) {
    %c0_i32 = arith.constant 0 : i32
    %c0_i32_0 = arith.constant 0 : i32
    %c0_i32_1 = arith.constant 0 : i32
    return %arg0, %c0_i32, %c0_i32_0 : i32, i32, i32
  }
  func.func @transform_4(%arg0: i32) -> (i32, i32, i32) {
    %c0_i32 = arith.constant 0 : i32
    %c0_i32_0 = arith.constant 0 : i32
    %c0_i32_1 = arith.constant 0 : i32
    return %arg0, %c0_i32, %c0_i32_0 : i32, i32, i32
  }
  func.func @transform_5(%arg0: i32) -> (i32, i32) {
    %c0_i32 = arith.constant 0 : i32
    %c0_i32_0 = arith.constant 0 : i32
    return %c0_i32, %arg0 : i32, i32
  }
  func.func @transform_6(%arg0: i32) -> (i32, i32) {
    %c0_i32 = arith.constant 0 : i32
    %c0_i32_0 = arith.constant 0 : i32
    return %c0_i32, %arg0 : i32, i32
  }
}

</mosaic_0001>

<sc_bundles>
// kernel: kernel.4.cloned.1.call-start
scs
__scs_entry_jumppad:
0x0: {  	(pc) =	sbr.rel $0x88, $3  }
0x1: {  	(tag) =	ssettag $0x0;
	lr =	simm.s32 $0x1  }
0x2: {  	[smem:$0x3F99] =	sst lr;
	_ =	strace $0xD0000000  }
0x3: {  	_ = 	snop  }
0x4: {  	_ = 	snop  }
0x5: {  	_ = 	snop  }
0x6: {  	_ = 	snop  }
0x7: {  	_ = 	snop  }
__scs_overlays_trampoline_lowered:
0x8: {  	[smem:$0x3FA8] =	sst s0  }
0x9: {  	[smem:$0x3FA9] =	sst s1  }
0xa: {  	[smem:$0x3FAA] =	sst s2  }
0xb: {  	[smem:$0x3FAB] =	sst s3  }
0xc: {  	[smem:$0x3FAC] =	sst s4  }
0xd: {  	[smem:$0x3FAD] =	sst s5  }
0xe: {  	[smem:$0x3FAE] =	sst s6  }
0xf: {  	[smem:$0x3FAF] =	sst s7  }
0x10: {  	[smem:$0x3FB0] =	sst s8  }
0x11: {  	[smem:$0x3FB1] =	sst s9;
	s0 =	simm.s32 @!p0 $0x0  }
0x12: {  	s1 =	sld [smem:$0x3F97];
	s0 =	simm.s32 @p0 $0x1  }
0x13: {  	[smem:$0x3FB2] =	sst s0;
	s0 =	simm.s32 @!p1 $0x0  }
0x14: {  	s2 =	sld [smem:$0x3F96];
	s0 =	simm.s32 @p1 $0x1  }
0x15: {  	[smem:$0x3FB3] =	sst s0;
	s0 =	simm.s32 @!p2 $0x0  }
0x16: {  	s3 =	sld [smem:$0x3FDB];
	s0 =	simm.s32 @p2 $0x1  }
0x17: {  	s4 =	simm.s32 $0x1BF5;
	[smem:$0x3FB5] =	sst s0  }
0x18: {  	s0 =	sld [smem:$0x3F98];
	_ =	swait.ge [sflag:s4], $0x0  }
0x19: {  	s7 =	sld [smem:$0x3F99]  }
0x1a: {  	s8 =	sadd.s32 $0xFFFFE003, lr  }
0x1b: {  	s9 =	sadd.s32 $0xFFFFFEF7, lr;
	s5 =	simm.s32 $0xFFFFFFFF;
	p2 =	slt.u32 s8, $0xFFFFF086  }
0x1c: {  	p1 =	slt.u32 s9, $0xF7A;
	s5 =	simm.s32 @!p2 $0x0  }
0x1d: {  	s5 =	simm.s32 @p1 $0x1;
	p0 =	seq.s32 s7, s2  }
0x1e: {  	s7 =	smul.u32 @!p0 $0xF7A, s2;
	p2 =	seq.s32 @!p0 s5, $0x0  }
0x1f: {  	s9 =	smul.u32 $0xF7A, s1;
	s8 =	simm.s32 @!p0 $0x1BF5;
	p2 =	por !p2, p0  }
0x20: {  	[sflag:s8] =	ssyncset.s32 @!p0 $0xFFFFF086;
	s6 =	sadd.s32 @!p0 s3, s7;
	s7 =	simm.s32 @!p0 $0x108  }
0x21: {  	s3 =	sadd.s32 s3, s9;
	s6 =	sadd.s32 @!p0 $0x88, s6;
	s7 =	simm.s32 @p2 $0x1082  }
0x22: {  	[simem:s7], [sflag:s8] =	dma.local @!p0 [hbm:s6], $0xF7A  }
0x23: {  	s9 =	sor.u32 $0xD0000000, s2;
	s6 =	simm.s32 $0x108;
	_ =	swait.ge @!p0 [sflag:s8], $0x0  }
0x24: {  	s3 =	sadd.s32 $0x88, s3;
	s6 =	simm.s32 @!p1 $0x1082;
	[sflag:s4] =	ssyncset.s32 $0xFFFFF086  }
0x25: {  	[simem:s6], [sflag:s4] =	dma.local [hbm:s3], $0xF7A  }
0x26: {  	[smem:$0x3F99] =	sst s1;
	(tag) =	ssettag s2;
	_ =	strace s9  }
0x27: {  	s1 =	sld [smem:$0x3FA9]  }
0x28: {  	s2 =	sld [smem:$0x3FAA]  }
0x29: {  	s4 =	sld [smem:$0x3FAC]  }
0x2a: {  	p0 =	seq.s32 s5, $0x0;
	s5 =	sld [smem:$0x3FAD]  }
0x2b: {  	s6 =	sld [smem:$0x3FAE]  }
0x2c: {  	s7 =	sld [smem:$0x3FAF]  }
0x2d: {  	s3 =	simm.s32 $0x108;
	s8 =	sld [smem:$0x3FB0]  }
0x2e: {  	s3 =	simm.s32 @!p0 $0x1082;
	s9 =	sld [smem:$0x3FB1]  }
0x2f: {  	lr =	sadd.s32 s0, s3;
	s0 =	sld [smem:$0x3FA8]  }
0x30: {  	s3 =	sld [smem:$0x3FAB]  }
0x31: {  	[smem:$0x3FB4] =	sst s10  }
0x32: {  	s10 =	sld [smem:$0x3FB2];
	_ =	sdelay $0x3  }
0x33: {  	p0 =	seq.s32 s10, $0x1;
	s10 =	sld [smem:$0x3FB4];
	_ =	sdelay $0x3  }
0x34: {  	[smem:$0x3FB4] =	sst s10  }
0x35: {  	s10 =	sld [smem:$0x3FB3];
	_ =	sdelay $0x3  }
0x36: {  	p1 =	seq.s32 s10, $0x1;
	s10 =	sld [smem:$0x3FB4];
	_ =	sdelay $0x3  }
0x37: {  	[smem:$0x3FB4] =	sst s10  }
0x38: {  	s10 =	sld [smem:$0x3FB5]  }
0x39: {  	_ = 	snop;
	(pc) =	sbr.ind lr, $3  }
0x3a: {  	_ = 	snop  }
0x3b: {  	_ = 	snop  }
0x3c: {  	p2 =	seq.s32 s10, $0x1;
	s10 =	sld [smem:$0x3FB4]  }
0x3d: {  	_ =	shalt  }
0x3e: {  	_ =	shalt  }
0x3f: {  	_ =	shalt  }
0x40: {  	_ =	shalt  }
0x41: {  	_ =	shalt  }
0x42: {  	_ =	shalt  }
0x43: {  	_ =	shalt  }
0x44: {  	_ =	shalt  }
0x45: {  	_ =	shalt  }
0x46: {  	_ =	shalt  }
0x47: {  	_ =	shalt  }
0x48: {  	_ =	shalt  }
0x49: {  	_ =	shalt  }
0x4a: {  	_ =	shalt  }
0x4b: {  	_ =	shalt  }
0x4c: {  	_ =	shalt  }
0x4d: {  	_ =	shalt  }
0x4e: {  	_ =	shalt  }
0x4f: {  	_ =	shalt  }
0x50: {  	_ =	shalt  }
0x51: {  	_ =	shalt  }
0x52: {  	_ =	shalt  }
0x53: {  	_ =	shalt  }
0x54: {  	_ =	shalt  }
0x55: {  	_ =	shalt  }
0x56: {  	_ =	shalt  }
0x57: {  	_ =	shalt  }
0x58: {  	_ =	shalt  }
0x59: {  	_ =	shalt  }
0x5a: {  	_ =	shalt  }
0x5b: {  	_ =	shalt  }
0x5c: {  	_ =	shalt  }
0x5d: {  	_ =	shalt  }
0x5e: {  	_ =	shalt  }
0x5f: {  	_ =	shalt  }
0x60: {  	_ =	shalt  }
0x61: {  	_ =	shalt  }
0x62: {  	_ =	shalt  }
0x63: {  	_ =	shalt  }
0x64: {  	_ =	shalt  }
0x65: {  	_ =	shalt  }
0x66: {  	_ =	shalt  }
0x67: {  	_ =	shalt  }
0x68: {  	_ =	shalt  }
0x69: {  	_ =	shalt  }
0x6a: {  	_ =	shalt  }
0x6b: {  	_ =	shalt  }
0x6c: {  	_ =	shalt  }
0x6d: {  	_ =	shalt  }
0x6e: {  	_ =	shalt  }
0x6f: {  	_ =	shalt  }
0x70: {  	_ =	shalt  }
0x71: {  	_ =	shalt  }
0x72: {  	_ =	shalt  }
0x73: {  	_ =	shalt  }
0x74: {  	_ =	shalt  }
0x75: {  	_ =	shalt  }
0x76: {  	_ =	shalt  }
0x77: {  	_ =	shalt  }
0x78: {  	_ =	shalt  }
0x79: {  	_ =	shalt  }
0x7a: {  	_ =	shalt  }
0x7b: {  	_ =	shalt  }
0x7c: {  	_ =	shalt  }
0x7d: {  	_ =	shalt  }
0x7e: {  	_ =	shalt  }
0x7f: {  	_ =	shalt  }
0x80: {  	_ =	shalt  }
0x81: {  	_ =	shalt  }
0x82: {  	_ =	shalt  }
0x83: {  	_ =	shalt  }
0x84: {  	_ =	shalt  }
0x85: {  	_ =	shalt  }
0x86: {  	_ =	shalt  }
0x87: {  	_ =	shalt  }
.Lfunc_end0:
.L_simem_size_0:
called_computation_lowered:
.L_overlay_start_0:
0x88: {  	s2 =	sld [smem:$0x3FD9]  }
0x89: {  	s3 =	sld [smem:$0x3FFE];
	_ =	sdelay $0x1  }
0x8a: {  	s1 =	srdreg.scid  }
0x8b: {  	s0 =	sand.u32 $0x1, s1  }
0x8c: {  	s17 =	sshll.u32 s0, $0xA;
	s2 =	sadd.s32 s3, s2  }
0x8d: {  	s2 =	sadd.s32 s2, s17  }
0x8e: {  	[smem:$0x3FC0] =	sst s2  }
0x8f: {  	_ = 	snop  }
0x90: {  	s2 =	sld [smem:$0x3FC8];
	(tm) =	ssettm $0x1  }
0x91: {  	s18 =	sld [smem:$0x3FFB];
	_ =	sdelay $0x3  }
0x92: {  	_ =	strace s18  }
0x93: {  	s3 =	sld [smem:$0x3FFC];
	_ =	sdelay $0x3  }
0x94: {  	_ =	strace s3  }
0x95: {  	s3 =	sld [smem:$0x3FFD];
	_ =	sdelay $0x3  }
0x96: {  	_ =	strace s3  }
0x97: {  	_ =	strace $0x8FFFFFFF  }
0x98: {  	s19 =	sld [smem:$0x3FDB];
	_ =	sdelay $0x1  }
0x99: {  	s4 =	simm.s32 $_scs_section_size  }
0x9a: {  	s5 =	simm.s32 $_size__tile_overlayer_lowered;
	s6 =	simm.s32 $_tile_overlayer_lowered  }
0x9b: {  	s22 =	simm.s32 $0x1BFF;
	s21 =	sshll.u32 s6, $0x1;
	s3 =	sadd.s32 s4, s19  }
0x9c: {  	s7 =	simm.s32 $0x0;
	s20 =	sshll.u32 s5, $0x1;
	s5 =	sadd.s32 s21, s3  }
0x9d: {  	[timem:s7], [sflag:s22] =	dma.local [hbm:s5], s20  }
0x9e: {  	_ =	swait.ge [sflag:s22], s20  }
0x9f: {  	s4 =	ssub.s32 $0x0, s20;
	[sflag:s22] =	ssyncset.done $0x0  }
0xa0: {  	[sflag:s22] =	ssyncadd.s32 s4;
	_ =	sdelay $0x1  }
0xa1: {  	s23 =	simm.s32 $0x1B8B  }
0xa2: {  	_ =	swait.ge [sflag:s23], $0x1  }
0xa3: {  	[sflag:s23] =	ssyncset.done $0x0  }
0xa4: {  	s25 =	simm.s32 $0x1B8E;
	s24 =	sld [smem:$0x3FFE];
	[sflag:s23] =	ssyncadd.s32 $0xFFFFFFFF  }
0xa5: {  	s26 =	simm.s32 $execute0_lowered;
	[smem:$0x3FD2] =	sst s25  }
0xa6: {  	s5 =	sshll.u32 s26, $0x1;
	_ =	strace $0x80000046;
	[dreg:$0x1] =	wrdreg $0xFFFFFFFF  }
0xa7: {  	s28 =	simm.s32 $_size_execute0_lowered;
	s3 =	sadd.s32 s3, s5;
	[dreg:$0x0] =	wrdreg $0x0  }
0xa8: {  	s5 =	sshll.u32 s28, $0x1;
	[dreg:$0x2] =	wrdreg s3  }
0xa9: {  	[dreg:$0x3] =	wrdreg s5  }
0xaa: {  	[dreg:$0x4] =	wrdreg $0xC0  }
0xab: {  	_ =	task [dreg:s7], $0x5FFFF  }
0xac: {  	[dreg:$0x1] =	wrdreg $0xFFFFFFFF  }
0xad: {  	[dreg:$0x0] =	wrdreg $0x60  }
0xae: {  	[dreg:$0x2] =	wrdreg s24  }
0xaf: {  	[dreg:$0x3] =	wrdreg s2  }
0xb0: {  	[dreg:$0x4] =	wrdreg $0x9  }
0xb1: {  	_ =	task.clear_ibuf [dreg:s7], $0x5FFFF;
	_ =	strace $0x90000046  }
0xb2: {  	s29 =	simm.s32 $0x9;
	_ =	strace $0x80000048  }
0xb3: {  	_ =	swait.ge [sflag:s29], $0x1  }
0xb4: {  	[sflag:s29] =	ssyncadd.s32 $0xFFFFFFFF  }
0xb5: {  	_ =	strace $0x90000048  }
0xb6: {  	_ =	sfence  }
0xb7: {  	s30 =	sld [smem:$0x0];
	_ =	sdelay $0x2  }
0xb8: {  	s31 =	sshll.u32 s1, $0xD;
	s1 =	sshrl.u32 s1, $0x2  }
0xb9: {  	s3 =	sand.u32 $0x4000, s31;
	s1 =	sadd.s32 s1, s30  }
0xba: {  	s0 =	sor.u32 s3, s0;
	s1 =	sshll.u32 s1, $0x11  }
0xbb: {  	s0 =	sor.u32 s1, s0  }
0xbc: {  	s0 =	sadd.s32 $0x8F2B, s0  }
0xbd: {  	[sflag:s0] =	ssyncadd.remote.s32 $0x1  }
0xbe: {  	_ =	sfence.sel $0xFFFF  }
0xbf: {  	[dreg:$0x0] =	wrdreg $0xFFFFFFFF;
	(pc) =	sbr.abs _section_cstart, $3  }
0xc0: {  	[dreg:$0x1] =	wrdreg $0xFFFFFFFF  }
0xc1: {  	_ =	task.clear_ibuf [dreg:s7], $0x2FFFF;
	_ =	strace $0x9FFFFFFF  }
0xc2: {  	(tm) =	ssettm $0x7FFFFFFF  }
0xc3: {  	_ =	shalt  }
tec
execute0_lowered:
.L_overlay_start_1:
0x0: {  	(tag) =	ssettag $0x1  }
0x1: {  	s1 =	srdreg.scid;
	s4 =	rddreg [dreg:$0x0]  }
0x2: {  	s0 =	stileid.u32;
	s6 =	rddreg [dreg:$0x1];
	s2 =	simm.s32 $0x0  }
0x3: {  	s9 =	simm.s32 $0x1;
	s11 =	simm.s32 $0x400;
	s12 =	simm.s32 $0x2400  }
0x4: {  	s13 =	simm.s32 $0x0;
	s3 =	sand.u32 $0x1, s1;
	s24 =	sshll.u32 s0, $0x1  }
0x5: {  	s1 =	rddreg [dreg:$0x2];
	s8 =	sshrl.u32 s0, $0x2;
	s5 =	sor.u32 s3, s24  }
0x6: {  	[smem:$0x7FF] =	sst s2;
	p1 =	seq.s32 s3, $0x1;
	s7 =	sand.u32 $0x7, s5  }
0x7: {  	s8 =	smul.u32 $0x12000, s8;
	_ =	strace $0x80000047;
	p0 =	seq.s32 s7, $0x0  }
0x8: {  	s26 =	ssub.s32 $0x2, s3;
	s3 =	sshll.u32 s3, $0x7;
	p0 =	por !p0, !p1  }
0x9: {  	s5 =	sshll.u32 s5, $0x7;
	s28 =	sshrl.u32 s26, $0x1;
	p0 =	por !p0, !p0  }
0xa: {  	s7 =	sshrl.u32 s7, $0x1;
	s5 =	sand.u32 $0x380, s5;
	s9 =	simm.s32 @!p0 $0x0  }
0xb: {  	s29 =	ssub.s32 s26, s28;
	s5 =	sor.u32 s8, s5;
	s7 =	ssub.s32 s7, s9  }
0xc: {  	s8 =	simm.s32 $0x80;
	s5 =	sshrl.u32 s5, $0x3;
	s25 =	smul.u32 $0x4800, s7  }
0xd: {  	s10 =	sadd.s32 s5, s4;
	s9 =	simm.s32 $0x100;
	s7 =	sshll.u32 s7, $0x4  }
0xe: {  	s31 =	sand.u32 $0x1FFFFFF0, s7;
	s7 =	smax.u32 s29, $0x1;
	s3 =	sor.u32 s3, s25  }
0xf: {  	s5 =	sadd.s32 s6, s31;
	s6 =	sadd.s32 $0x2400, s10;
	s30 =	sshrl.u32 s3, $0x3  }
0x10: {  	v0 =	vimm.s32 $0x0;
	s10 =	simm.s32 $0x4800;
	s3 =	simm.s32 $0x1;
	s4 =	sadd.s32 s4, s30  }
.LBB2_1:
0x11: {  	[tilespmem:s2], [sflag:$0x1] =	stream.strided.gather [hbm4b:s4+s8], $0x2400, s9, s8, $0x38;
	[tilespmem:$0x4900] =	vst v63  }
0x12: {  	_ =	swait.ge [sflag:s3], $0x2400  }
0x13: {  	[sflag:s3] =	ssyncset.done $0x0  }
0x14: {  	[sflag:s3] =	ssyncadd.s32 $0xFFFFDC00  }
0x15: {  	[tilespmem:s10], [sflag:$0x1] =	stream.linear.gather [hbm4b:s5+s2], $0x80, $0x38;
	[tilespmem:$0x4900] =	vst v63  }
0x16: {  	_ =	swait.ge [sflag:s3], $0x80  }
0x17: {  	[sflag:s3] =	ssyncset.done $0x0  }
0x18: {  	[sflag:s3] =	ssyncadd.s32 $0xFFFFFF80  }
0x19: {  	v1 =	vld [tilespmem:$0x4800]  }
0x1a: {  	v2 =	vld [tilespmem:$0x4810]  }
0x1b: {  	v3 =	vld [tilespmem:$0x4820]  }
0x1c: {  	v4 =	vld [tilespmem:$0x4830]  }
0x1d: {  	v5 =	vld [tilespmem:$0x4840]  }
0x1e: {  	v6 =	vld [tilespmem:$0x4850]  }
0x1f: {  	v1 =	vadd.s32 v1, v2  }
0x20: {  	v1 =	vadd.s32 v1, v3  }
0x21: {  	v1 =	vadd.s32 v1, v4  }
0x22: {  	v1 =	vadd.s32 v1, v5  }
0x23: {  	v1 =	vadd.s32 v1, v6  }
0x24: {  	(v2sf) =	vpush v1, $0x0  }
0x25: {  	(v2sf) =	vpush v1, $0x1  }
0x26: {  	(v2sf) =	vpush v1, $0x2  }
0x27: {  	(v2sf) =	vpush v1, $0x3  }
0x28: {  	(v2sf) =	vpush v1, $0x4  }
0x29: {  	(v2sf) =	vpush v1, $0x5  }
0x2a: {  	(v2sf) =	vpush v1, $0x6  }
0x2b: {  	(v2sf) =	vpush v1, $0x7  }
0x2c: {  	(v2sf) =	vpush v1, $0x8  }
0x2d: {  	(v2sf) =	vpush v1, $0x9  }
0x2e: {  	(v2sf) =	vpush v1, $0xA  }
0x2f: {  	(v2sf) =	vpush v1, $0xB  }
0x30: {  	(v2sf) =	vpush v1, $0xC  }
0x31: {  	(v2sf) =	vpush v1, $0xD  }
0x32: {  	(v2sf) =	vpush v1, $0xE  }
0x33: {  	s14 =	spop (v2sf);
	(v2sf) =	vpush v1, $0xF  }
0x34: {  	s15 =	spop (v2sf)  }
0x35: {  	s16 =	spop (v2sf);
	s14 =	sadd.s32 s14, s15  }
0x36: {  	s17 =	spop (v2sf);
	s14 =	sadd.s32 s16, s14  }
0x37: {  	s18 =	spop (v2sf);
	s14 =	sadd.s32 s17, s14  }
0x38: {  	s19 =	spop (v2sf);
	s14 =	sadd.s32 s18, s14  }
0x39: {  	s20 =	spop (v2sf);
	s14 =	sadd.s32 s19, s14  }
0x3a: {  	s21 =	spop (v2sf);
	s14 =	sadd.s32 s20, s14  }
0x3b: {  	s22 =	spop (v2sf);
	s14 =	sadd.s32 s21, s14  }
0x3c: {  	s23 =	spop (v2sf);
	s14 =	sadd.s32 s22, s14  }
0x3d: {  	s24 =	spop (v2sf);
	s14 =	sadd.s32 s23, s14  }
0x3e: {  	s25 =	spop (v2sf);
	s14 =	sadd.s32 s24, s14  }
0x3f: {  	s26 =	spop (v2sf);
	s14 =	sadd.s32 s25, s14  }
0x40: {  	s28 =	spop (v2sf);
	s14 =	sadd.s32 s26, s14  }
0x41: {  	s29 =	spop (v2sf);
	s14 =	sadd.s32 s28, s14  }
0x42: {  	s30 =	spop (v2sf);
	s14 =	sadd.s32 s29, s14  }
0x43: {  	s14 =	sadd.s32 s30, s14  }
0x44: {  	s14 =	sadd.s32 $0xFFFFFFFE, s14  }
0x45: {  	s31 =	scvt.s32.f32 s14;
	_ =	sdelay $0x1  }
0x46: {  	s15 =	smul.f32 $3.000000120e-01, s31;
	_ =	sdelay $0x1  }
0x47: {  	s15 =	scvt.f32.s32 s15;
	_ =	sdelay $0x1  }
0x48: {  	s14 =	smul.u32 s14, s14;
	p0 =	sgt.s32 s15, $0x5  }
0x49: {  	s15 =	simm.s32 @!p0 $0x5  }
0x4a: {  	s16 =	simm.s32 $0x0;
	p0 =	slt.s32 s15, s14  }
0x4b: {  	[tilespmem:$0x4880] =	vst v1;
	s17 =	simm.s32 $0x0;
	s14 =	smov.u32 @p0 s15;
	s15 =	simm.s32 $0x40000000  }
.LBB2_2:
0x4c: {  	s20 =	simm.s32 $0x80  }
0x4d: {  	v2 =	vld [tilespmem:s20+$0xFFFFFF80]  }
0x4e: {  	v3 =	vld [tilespmem:s20+$0xFFFFFF90]  }
0x4f: {  	s18 =	sadd.s32 s17, s15;
	v4 =	vld [tilespmem:s20+$0xFFFFFFA0]  }
0x50: {  	s18 =	sshra.s32 s18, $0x1;
	v5 =	vld [tilespmem:s20+$0xFFFFFFB0]  }
0x51: {  	v6 =	vld [tilespmem:s20+$0xFFFFFFC0];
	v1 =	vmov s18  }
0x52: {  	vm0 =	vge.s32 v2, v1;
	v2 =	vld [tilespmem:s20+$0xFFFFFFD0]  }
0x53: {  	v7 =	vimm.s32 $0x0;
	v8 =	vsel vm0, $0x1, v0;
	vm0 =	vge.s32 v3, v1;
	v3 =	vld [tilespmem:s20+$0xFFFFFFE0]  }
0x54: {  	v7 =	vadd.s32 v8, v7;
	v8 =	vsel vm0, $0x1, v0;
	vm0 =	vge.s32 v4, v1;
	v4 =	vld [tilespmem:s20+$0xFFFFFFF0]  }
0x55: {  	v7 =	vadd.s32 v8, v7;
	v8 =	vsel vm0, $0x1, v0;
	vm0 =	vge.s32 v5, v1;
	v5 =	vld [tilespmem:s20+$0x0]  }
0x56: {  	v7 =	vadd.s32 v8, v7;
	v8 =	vsel vm0, $0x1, v0;
	vm0 =	vge.s32 v6, v1;
	v6 =	vld [tilespmem:s20+$0x10]  }
0x57: {  	v9 =	vld [tilespmem:s20+$0x20];
	v7 =	vadd.s32 v8, v7;
	v8 =	vsel vm0, $0x1, v0;
	vm0 =	vge.s32 v2, v1  }
0x58: {  	v2 =	vld [tilespmem:s20+$0x30];
	v7 =	vadd.s32 v8, v7;
	v8 =	vsel vm0, $0x1, v0;
	vm0 =	vge.s32 v3, v1  }
0x59: {  	v3 =	vld [tilespmem:s20+$0x40];
	v7 =	vadd.s32 v8, v7;
	v8 =	vsel vm0, $0x1, v0;
	vm0 =	vge.s32 v4, v1  }
0x5a: {  	v4 =	vld [tilespmem:s20+$0x50];
	v7 =	vadd.s32 v8, v7;
	v8 =	vsel vm0, $0x1, v0;
	vm0 =	vge.s32 v5, v1  }
0x5b: {  	v5 =	vld [tilespmem:s20+$0x60];
	v7 =	vadd.s32 v8, v7;
	v8 =	vsel vm0, $0x1, v0;
	vm0 =	vge.s32 v6, v1  }
0x5c: {  	s19 =	simm.s32 $0x0;
	v6 =	vld [tilespmem:s20+$0x70];
	s20 =	simm.s32 $0x180;
	v7 =	vadd.s32 v8, v7;
	v8 =	vsel vm0, $0x1, v0;
	vm0 =	vge.s32 v9, v1  }
.LBB2_3:
0x5d: {  	v9 =	vld [tilespmem:s20+$0xFFFFFF80];
	s19 =	sadd.s32 $0x10, s19;
	v7 =	vadd.s32 v8, v7;
	v8 =	vsel vm0, $0x1, v0;
	vm0 =	vge.s32 v2, v1  }
0x5e: {  	v2 =	vld [tilespmem:s20+$0xFFFFFF90];
	p0 =	slt.u32 s19, $0x230;
	v7 =	vadd.s32 v8, v7;
	v8 =	vsel vm0, $0x1, v0;
	vm0 =	vge.s32 v3, v1  }
0x5f: {  	v3 =	vld [tilespmem:s20+$0xFFFFFFA0];
	v7 =	vadd.s32 v8, v7;
	v8 =	vsel vm0, $0x1, v0;
	vm0 =	vge.s32 v4, v1  }
0x60: {  	v4 =	vld [tilespmem:s20+$0xFFFFFFB0];
	v7 =	vadd.s32 v8, v7;
	v8 =	vsel vm0, $0x1, v0;
	vm0 =	vge.s32 v5, v1  }
0x61: {  	v5 =	vld [tilespmem:s20+$0xFFFFFFC0];
	v7 =	vadd.s32 v8, v7;
	v8 =	vsel vm0, $0x1, v0;
	vm0 =	vge.s32 v6, v1  }
0x62: {  	vm1 =	vge.s32 v9, v1;
	v6 =	vld [tilespmem:s20+$0xFFFFFFD0];
	v7 =	vadd.s32 v8, v7;
	v8 =	vsel vm0, $0x1, v0  }
0x63: {  	v9 =	vsel vm1, $0x1, v0;
	vm0 =	vge.s32 v2, v1;
	v2 =	vld [tilespmem:s20+$0xFFFFFFE0];
	v7 =	vadd.s32 v8, v7  }
0x64: {  	v7 =	vadd.s32 v9, v7;
	v8 =	vsel vm0, $0x1, v0;
	vm0 =	vge.s32 v3, v1;
	v3 =	vld [tilespmem:s20+$0xFFFFFFF0]  }
0x65: {  	v7 =	vadd.s32 v8, v7;
	v8 =	vsel vm0, $0x1, v0;
	vm0 =	vge.s32 v4, v1;
	v4 =	vld [tilespmem:s20+$0x0]  }
0x66: {  	v7 =	vadd.s32 v8, v7;
	v8 =	vsel vm0, $0x1, v0;
	vm0 =	vge.s32 v5, v1;
	v5 =	vld [tilespmem:s20+$0x10]  }
0x67: {  	v7 =	vadd.s32 v8, v7;
	v8 =	vsel vm0, $0x1, v0;
	vm0 =	vge.s32 v6, v1;
	v6 =	vld [tilespmem:s20+$0x20]  }
.Ltmp0:
0x68: {  	v7 =	vadd.s32 v8, v7;
	v8 =	vsel vm0, $0x1, v0;
	vm0 =	vge.s32 v2, v1;
	v2 =	vld [tilespmem:s20+$0x30];
	(pc) =	sbr.rel @p0 .LBB2_3-.Ltmp0, $4  }
0x69: {  	v7 =	vadd.s32 v8, v7;
	v8 =	vsel vm0, $0x1, v0;
	vm0 =	vge.s32 v3, v1;
	v3 =	vld [tilespmem:s20+$0x40]  }
0x6a: {  	v7 =	vadd.s32 v8, v7;
	v8 =	vsel vm0, $0x1, v0;
	vm0 =	vge.s32 v4, v1;
	v4 =	vld [tilespmem:s20+$0x50]  }
0x6b: {  	v7 =	vadd.s32 v8, v7;
	v8 =	vsel vm0, $0x1, v0;
	vm0 =	vge.s32 v5, v1;
	v5 =	vld [tilespmem:s20+$0x60]  }
0x6c: {  	v7 =	vadd.s32 v8, v7;
	v8 =	vsel vm0, $0x1, v0;
	vm0 =	vge.s32 v6, v1;
	v6 =	vld [tilespmem:s20+$0x70];
	s20 =	sadd.s32 $0x100, s20  }
0x6d: {  	v7 =	vadd.s32 v8, v7;
	v62 =	vsel vm0, $0x1, v0;
	vm11 =	vge.s32 v2, v1  }
0x6e: {  	v2 =	vadd.s32 v62, v7;
	v63 =	vsel vm11, $0x1, v0;
	vm12 =	vge.s32 v3, v1  }
0x6f: {  	v2 =	vadd.s32 v63, v2;
	v3 =	vsel vm12, $0x1, v0;
	vm13 =	vge.s32 v4, v1  }
0x70: {  	v2 =	vadd.s32 v3, v2;
	v3 =	vsel vm13, $0x1, v0;
	vm14 =	vge.s32 v5, v1  }
0x71: {  	v2 =	vadd.s32 v3, v2;
	v3 =	vsel vm14, $0x1, v0;
	vm15 =	vge.s32 v6, v1  }
0x72: {  	v1 =	vadd.s32 v3, v2;
	v2 =	vsel vm15, $0x1, v0  }
0x73: {  	v1 =	vadd.s32 v2, v1  }
0x74: {  	(v2sf) =	vpush v1, $0x0  }
0x75: {  	(v2sf) =	vpush v1, $0x1  }
0x76: {  	(v2sf) =	vpush v1, $0x2  }
0x77: {  	(v2sf) =	vpush v1, $0x3  }
0x78: {  	(v2sf) =	vpush v1, $0x4  }
0x79: {  	(v2sf) =	vpush v1, $0x5  }
0x7a: {  	(v2sf) =	vpush v1, $0x6  }
0x7b: {  	(v2sf) =	vpush v1, $0x7  }
0x7c: {  	(v2sf) =	vpush v1, $0x8  }
0x7d: {  	(v2sf) =	vpush v1, $0x9  }
0x7e: {  	(v2sf) =	vpush v1, $0xA  }
0x7f: {  	(v2sf) =	vpush v1, $0xB  }
0x80: {  	(v2sf) =	vpush v1, $0xC  }
0x81: {  	(v2sf) =	vpush v1, $0xD  }
0x82: {  	(v2sf) =	vpush v1, $0xE  }
0x83: {  	s19 =	spop (v2sf);
	(v2sf) =	vpush v1, $0xF  }
0x84: {  	s20 =	spop (v2sf)  }
0x85: {  	s19 =	sadd.s32 s20, s19;
	s28 =	spop (v2sf)  }
0x86: {  	s19 =	sadd.s32 s28, s19;
	s29 =	spop (v2sf)  }
0x87: {  	s19 =	sadd.s32 s29, s19;
	s30 =	spop (v2sf)  }
0x88: {  	s19 =	sadd.s32 s30, s19;
	s31 =	spop (v2sf)  }
0x89: {  	s19 =	sadd.s32 s31, s19;
	s21 =	spop (v2sf)  }
0x8a: {  	s19 =	sadd.s32 s21, s19;
	s22 =	spop (v2sf)  }
0x8b: {  	s19 =	sadd.s32 s22, s19;
	s23 =	spop (v2sf)  }
0x8c: {  	s19 =	sadd.s32 s23, s19;
	s24 =	spop (v2sf)  }
0x8d: {  	s19 =	sadd.s32 s24, s19;
	s25 =	spop (v2sf)  }
0x8e: {  	s19 =	sadd.s32 s25, s19;
	s26 =	spop (v2sf)  }
0x8f: {  	s19 =	sadd.s32 s26, s19;
	s28 =	spop (v2sf)  }
0x90: {  	s16 =	sadd.s32 $0x1, s16;
	s19 =	sadd.s32 s28, s19;
	s29 =	spop (v2sf)  }
0x91: {  	p1 =	sne.s32 s16, $0x1E;
	s19 =	sadd.s32 s29, s19;
	s30 =	spop (v2sf)  }
.Ltmp1:
0x92: {  	s19 =	sadd.s32 s30, s19;
	s31 =	spop (v2sf);
	(pc) =	sbr.rel @p1 .LBB2_2-.Ltmp1, $4  }
0x93: {  	s19 =	sadd.s32 s31, s19  }
0x94: {  	p0 =	slt.s32 s19, s14;
	s19 =	smov.u32 s18  }
0x95: {  	s19 =	smov.u32 @p0 s17  }
0x96: {  	[tilespmem:$0x4880] =	vst v1;
	s15 =	smov.u32 @p0 s18;
	s17 =	smov.u32 s19  }
0x97: {  	s15 =	simm.s32 $0x80  }
0x98: {  	v2 =	vld [tilespmem:s15+$0xFFFFFF80];
	_ =	sdelay $0x3  }
0x99: {  	v1 =	vmov s19  }
0x9a: {  	vm0 =	vge.s32 v2, v1  }
0x9b: {  	s14 =	simm.s32 $0x2480;
	v2 =	vsel vm0, $0x1, v0  }
0x9c: {  	[tilespmem:s14+$0xFFFFFF80] =	vst v2  }
0x9d: {  	v2 =	vld [tilespmem:s15+$0xFFFFFF90];
	_ =	sdelay $0x4  }
0x9e: {  	vm13 =	vge.s32 v2, v1  }
0x9f: {  	v2 =	vsel vm13, $0x1, v0  }
0xa0: {  	[tilespmem:s14+$0xFFFFFF90] =	vst v2  }
0xa1: {  	v2 =	vld [tilespmem:s15+$0xFFFFFFA0];
	_ =	sdelay $0x4  }
0xa2: {  	vm14 =	vge.s32 v2, v1  }
0xa3: {  	v2 =	vsel vm14, $0x1, v0  }
0xa4: {  	[tilespmem:s14+$0xFFFFFFA0] =	vst v2  }
0xa5: {  	v2 =	vld [tilespmem:s15+$0xFFFFFFB0];
	_ =	sdelay $0x4  }
0xa6: {  	vm15 =	vge.s32 v2, v1  }
0xa7: {  	v2 =	vsel vm15, $0x1, v0  }
0xa8: {  	[tilespmem:s14+$0xFFFFFFB0] =	vst v2  }
0xa9: {  	v2 =	vld [tilespmem:s15+$0xFFFFFFC0];
	_ =	sdelay $0x4  }
0xaa: {  	vm4 =	vge.s32 v2, v1  }
0xab: {  	v2 =	vsel vm4, $0x1, v0  }
0xac: {  	[tilespmem:s14+$0xFFFFFFC0] =	vst v2  }
0xad: {  	v2 =	vld [tilespmem:s15+$0xFFFFFFD0];
	_ =	sdelay $0x4  }
0xae: {  	vm5 =	vge.s32 v2, v1  }
0xaf: {  	v2 =	vsel vm5, $0x1, v0  }
0xb0: {  	[tilespmem:s14+$0xFFFFFFD0] =	vst v2  }
0xb1: {  	v2 =	vld [tilespmem:s15+$0xFFFFFFE0];
	_ =	sdelay $0x4  }
0xb2: {  	vm6 =	vge.s32 v2, v1  }
0xb3: {  	v2 =	vsel vm6, $0x1, v0  }
0xb4: {  	[tilespmem:s14+$0xFFFFFFE0] =	vst v2  }
0xb5: {  	v2 =	vld [tilespmem:s15+$0xFFFFFFF0];
	_ =	sdelay $0x4  }
0xb6: {  	vm7 =	vge.s32 v2, v1  }
0xb7: {  	v2 =	vsel vm7, $0x1, v0  }
0xb8: {  	[tilespmem:s14+$0xFFFFFFF0] =	vst v2  }
0xb9: {  	v2 =	vld [tilespmem:s15+$0x0];
	_ =	sdelay $0x4  }
0xba: {  	vm8 =	vge.s32 v2, v1  }
0xbb: {  	v2 =	vsel vm8, $0x1, v0  }
0xbc: {  	[tilespmem:s14+$0x0] =	vst v2  }
0xbd: {  	v2 =	vld [tilespmem:s15+$0x10];
	_ =	sdelay $0x4  }
0xbe: {  	vm9 =	vge.s32 v2, v1  }
0xbf: {  	v2 =	vsel vm9, $0x1, v0  }
0xc0: {  	[tilespmem:s14+$0x10] =	vst v2  }
0xc1: {  	v2 =	vld [tilespmem:s15+$0x20];
	_ =	sdelay $0x4  }
0xc2: {  	vm10 =	vge.s32 v2, v1  }
0xc3: {  	v2 =	vsel vm10, $0x1, v0  }
0xc4: {  	[tilespmem:s14+$0x20] =	vst v2  }
0xc5: {  	v2 =	vld [tilespmem:s15+$0x30];
	_ =	sdelay $0x4  }
0xc6: {  	vm11 =	vge.s32 v2, v1  }
0xc7: {  	v2 =	vsel vm11, $0x1, v0  }
0xc8: {  	[tilespmem:s14+$0x30] =	vst v2  }
0xc9: {  	v2 =	vld [tilespmem:s15+$0x40];
	_ =	sdelay $0x4  }
0xca: {  	vm12 =	vge.s32 v2, v1  }
0xcb: {  	v2 =	vsel vm12, $0x1, v0  }
0xcc: {  	[tilespmem:s14+$0x40] =	vst v2  }
0xcd: {  	v2 =	vld [tilespmem:s15+$0x50];
	_ =	sdelay $0x4  }
0xce: {  	vm13 =	vge.s32 v2, v1  }
0xcf: {  	v2 =	vsel vm13, $0x1, v0  }
0xd0: {  	[tilespmem:s14+$0x50] =	vst v2  }
0xd1: {  	v2 =	vld [tilespmem:s15+$0x60];
	_ =	sdelay $0x4  }
0xd2: {  	vm14 =	vge.s32 v2, v1  }
0xd3: {  	v2 =	vsel vm14, $0x1, v0  }
0xd4: {  	[tilespmem:s14+$0x60] =	vst v2  }
0xd5: {  	v2 =	vld [tilespmem:s15+$0x70];
	_ =	sdelay $0x4  }
0xd6: {  	vm15 =	vge.s32 v2, v1  }
0xd7: {  	v2 =	vsel vm15, $0x1, v0  }
0xd8: {  	s16 =	simm.s32 $0x180;
	s15 =	simm.s32 $0x0;
	[tilespmem:s14+$0x70] =	vst v2  }
.LBB2_6:
0xd9: {  	v2 =	vld [tilespmem:s16+$0xFFFFFF80];
	s15 =	sadd.s32 $0x10, s15  }
0xda: {  	p0 =	slt.u32 s15, $0x230;
	_ =	sdelay $0x3  }
0xdb: {  	vm0 =	vge.s32 v2, v1  }
0xdc: {  	s14 =	sadd.s32 $0x100, s14;
	v2 =	vsel vm0, $0x1, v0  }
0xdd: {  	[tilespmem:s14+$0xFFFFFF80] =	vst v2  }
0xde: {  	v2 =	vld [tilespmem:s16+$0xFFFFFF90];
	_ =	sdelay $0x4  }
0xdf: {  	vm0 =	vge.s32 v2, v1  }
0xe0: {  	v2 =	vsel vm0, $0x1, v0  }
0xe1: {  	[tilespmem:s14+$0xFFFFFF90] =	vst v2  }
0xe2: {  	v2 =	vld [tilespmem:s16+$0xFFFFFFA0];
	_ =	sdelay $0x4  }
0xe3: {  	vm0 =	vge.s32 v2, v1  }
0xe4: {  	v2 =	vsel vm0, $0x1, v0  }
0xe5: {  	[tilespmem:s14+$0xFFFFFFA0] =	vst v2  }
0xe6: {  	v2 =	vld [tilespmem:s16+$0xFFFFFFB0];
	_ =	sdelay $0x4  }
0xe7: {  	vm0 =	vge.s32 v2, v1  }
0xe8: {  	v2 =	vsel vm0, $0x1, v0  }
0xe9: {  	[tilespmem:s14+$0xFFFFFFB0] =	vst v2  }
0xea: {  	v2 =	vld [tilespmem:s16+$0xFFFFFFC0];
	_ =	sdelay $0x4  }
0xeb: {  	vm0 =	vge.s32 v2, v1  }
0xec: {  	v2 =	vsel vm0, $0x1, v0  }
0xed: {  	[tilespmem:s14+$0xFFFFFFC0] =	vst v2  }
0xee: {  	v2 =	vld [tilespmem:s16+$0xFFFFFFD0];
	_ =	sdelay $0x4  }
0xef: {  	vm0 =	vge.s32 v2, v1  }
0xf0: {  	v2 =	vsel vm0, $0x1, v0  }
0xf1: {  	[tilespmem:s14+$0xFFFFFFD0] =	vst v2  }
0xf2: {  	v2 =	vld [tilespmem:s16+$0xFFFFFFE0];
	_ =	sdelay $0x4  }
0xf3: {  	vm0 =	vge.s32 v2, v1  }
0xf4: {  	v2 =	vsel vm0, $0x1, v0  }
0xf5: {  	[tilespmem:s14+$0xFFFFFFE0] =	vst v2  }
0xf6: {  	v2 =	vld [tilespmem:s16+$0xFFFFFFF0];
	_ =	sdelay $0x4  }
0xf7: {  	vm0 =	vge.s32 v2, v1  }
0xf8: {  	v2 =	vsel vm0, $0x1, v0  }
0xf9: {  	[tilespmem:s14+$0xFFFFFFF0] =	vst v2  }
0xfa: {  	v2 =	vld [tilespmem:s16+$0x0];
	_ =	sdelay $0x4  }
0xfb: {  	vm0 =	vge.s32 v2, v1  }
0xfc: {  	v2 =	vsel vm0, $0x1, v0  }
0xfd: {  	[tilespmem:s14+$0x0] =	vst v2  }
0xfe: {  	v2 =	vld [tilespmem:s16+$0x10];
	_ =	sdelay $0x4  }
0xff: {  	vm0 =	vge.s32 v2, v1  }
0x100: {  	v2 =	vsel vm0, $0x1, v0  }
0x101: {  	[tilespmem:s14+$0x10] =	vst v2  }
0x102: {  	v2 =	vld [tilespmem:s16+$0x20];
	_ =	sdelay $0x4  }
0x103: {  	vm0 =	vge.s32 v2, v1  }
0x104: {  	v2 =	vsel vm0, $0x1, v0  }
0x105: {  	[tilespmem:s14+$0x20] =	vst v2  }
0x106: {  	v2 =	vld [tilespmem:s16+$0x30];
	_ =	sdelay $0x4  }
0x107: {  	vm0 =	vge.s32 v2, v1  }
0x108: {  	v2 =	vsel vm0, $0x1, v0  }
0x109: {  	[tilespmem:s14+$0x30] =	vst v2  }
0x10a: {  	v2 =	vld [tilespmem:s16+$0x40];
	_ =	sdelay $0x4  }
0x10b: {  	vm0 =	vge.s32 v2, v1  }
0x10c: {  	v2 =	vsel vm0, $0x1, v0  }
0x10d: {  	[tilespmem:s14+$0x40] =	vst v2  }
0x10e: {  	v2 =	vld [tilespmem:s16+$0x50];
	_ =	sdelay $0x4  }
0x10f: {  	vm0 =	vge.s32 v2, v1  }
0x110: {  	v2 =	vsel vm0, $0x1, v0  }
0x111: {  	[tilespmem:s14+$0x50] =	vst v2  }
0x112: {  	v2 =	vld [tilespmem:s16+$0x60];
	_ =	sdelay $0x4  }
0x113: {  	vm0 =	vge.s32 v2, v1  }
0x114: {  	v2 =	vsel vm0, $0x1, v0  }
0x115: {  	[tilespmem:s14+$0x60] =	vst v2  }
0x116: {  	v2 =	vld [tilespmem:s16+$0x70];
	_ =	sdelay $0x2  }
.Ltmp2:
0x117: {  	(pc) =	sbr.rel @p0 .LBB2_6-.Ltmp2, $4  }
0x118: {  	_ = 	snop  }
0x119: {  	vm0 =	vge.s32 v2, v1  }
0x11a: {  	v2 =	vsel vm0, $0x1, v0  }
0x11b: {  	s16 =	sadd.s32 $0x100, s16;
	[tilespmem:s14+$0x70] =	vst v2  }
0x11c: {  	s13 =	sadd.s32 $0x1, s13  }
0x11d: {  	p0 =	sne.s32 s13, s7  }
.Ltmp3:
0x11e: {  	_ = 	snop;
	(pc) =	sbr.rel @p0 .LBB2_1-.Ltmp3, $4  }
0x11f: {  	[hbm4b:s6+s8] =	stream.strided.scatter [tilespmem:s12], [sflag:$0x1], $0x2400, s11, s8, $0x38;
	[tilespmem:$0x4900] =	vst v63  }
0x120: {  	_ =	swait.ge [sflag:s3], $0x2400  }
0x121: {  	[sflag:s3] =	ssyncset.done $0x0  }
0x122: {  	[sflag:s3] =	ssyncadd.s32 $0xFFFFDC00  }
0x123: {  	_ =	sfence.sel $0x180000  }
0x124: {  	[bflag:$0x0] =	sbarrier.arrive $0xFFFF  }
0x125: {  	p0 =	sne.s32 s0, $0x0;
	_ =	strace $0x90000047  }
0x126: {  	s0 =	sadd.s32 @!p0 $0x100000, s1;
	[bflag:$0x2] =	sbarrier.arrive $0xFFFF  }
0x127: {  	[sflag:s0] =	ssyncadd.tile.s32 @!p0 $0x1;
	_ =	shalt  }
.Lfunc_end2:
_tile_overlayer_lowered:
.L_overlay_start_2:
0x128: {  	(tag) =	ssettag $0x2  }
0x129: {  	s0 =	rddreg [dreg:$0x0];
	s2 =	stileid.u32  }
0x12a: {  	s1 =	rddreg [dreg:$0x1];
	p0 =	sne.s32 s2, $0x0  }
0x12b: {  	s3 =	rddreg [dreg:$0x2];
	[bflag:$0x3] =	sbarrier.arrive $0xFFFF;
	s2 =	simm.s32 @!p0 $0x1C01  }
0x12c: {  	[timem:s3], [sflag:s2] =	dma.local @!p0 [hbm:s0], s1  }
0x12d: {  	s0 =	simm.s32 @!p0 $0x1  }
0x12e: {  	_ =	swait.ge @!p0 [sflag:s0], s1  }
0x12f: {  	s1 =	ssub.s32 @!p0 $0x0, s1;
	[sflag:s0] =	ssyncset.done @!p0 $0x0  }
0x130: {  	[sflag:s0] =	ssyncadd.s32 @!p0 s1  }
0x131: {  	[bflag:$0x3] =	sbarrier.arrive $0xFFFF  }
0x132: {  	_ =	shalt  }

</sc_bundles>
